<compile_context>
chip_gen: v7x
topology: tpu7x:2x2x1
jax: 0.10.2.dev20260603
libtpu: 0.0.44.dev20260713+nightly
codegen_flags: <defaults>
</compile_context>

<pallas_src>
import functools

import jax
import jax.numpy as jnp
from jax import lax
from jax.experimental import pallas as pl
from jax.experimental.pallas import tpu as pltpu
from jax.experimental.pallas import tpu_sc as plsc

B = 16384
NU = 100000
NI = 1000
D = 64

NC = 2
NS = 16
NW = NC * NS
BPW = B // NW
L = 16

NCROSS = NU * NI
CROSS_PAD = 768


def _sc_gather(uids, iids, uemb, iemb, uw, ub, iw, ib, cross_flat):
    mesh = plsc.VectorSubcoreMesh(core_axis_name="c", subcore_axis_name="s")

    @functools.partial(
        pl.kernel,
        out_type=(
            jax.ShapeDtypeStruct((B, D), jnp.float32),
            jax.ShapeDtypeStruct((B, D), jnp.float32),
            jax.ShapeDtypeStruct((B,), jnp.float32),
        ),
        mesh=mesh,
        compiler_params=pltpu.CompilerParams(use_tc_tiling_on_sc=False),
        scratch_types=[
            pltpu.VMEM((BPW,), jnp.int32),
            pltpu.VMEM((BPW,), jnp.int32),
            pltpu.VMEM((BPW,), jnp.int32),
            pltpu.VMEM((BPW, D), jnp.float32),
            pltpu.VMEM((BPW, D), jnp.float32),
            pltpu.VMEM((BPW,), jnp.float32),
            pltpu.VMEM((BPW,), jnp.float32),
            pltpu.VMEM((BPW,), jnp.float32),
            pltpu.VMEM((BPW,), jnp.float32),
            pltpu.VMEM((BPW,), jnp.float32),
            pltpu.VMEM((BPW,), jnp.float32),
            pltpu.SemaphoreType.DMA,
            pltpu.SemaphoreType.DMA,
        ],
    )
    def k(uids_hbm, iids_hbm, uemb_hbm, iemb_hbm, uw_hbm, ub_hbm, iw_hbm,
          ib_hbm, cross_hbm, ue_out, ie_out, wide_out,
          uid_v, iid_v, cidx_v, ue_v, ie_v, uw_v, ub_v, iw_v, ib_v, cw_v,
          ws_v, sem_emb, sem_s):
        wid = lax.axis_index("s") * NC + lax.axis_index("c")
        base = wid * BPW
        pltpu.sync_copy(uids_hbm.at[pl.ds(base, BPW)], uid_v)
        pltpu.sync_copy(iids_hbm.at[pl.ds(base, BPW)], iid_v)

        c_ue = pltpu.async_copy(uemb_hbm.at[uid_v], ue_v, sem_emb)
        c_ie = pltpu.async_copy(iemb_hbm.at[iid_v], ie_v, sem_emb)

        def cross_body(i, _):
            s = pl.ds(i * L, L)
            cidx_v[s] = uid_v[s] * NI + iid_v[s]
            return 0
        lax.fori_loop(0, BPW // L, cross_body, 0, unroll=8)

        c_uw = pltpu.async_copy(uw_hbm.at[uid_v], uw_v, sem_s)
        c_ub = pltpu.async_copy(ub_hbm.at[uid_v], ub_v, sem_s)
        c_iw = pltpu.async_copy(iw_hbm.at[iid_v], iw_v, sem_s)
        c_ib = pltpu.async_copy(ib_hbm.at[iid_v], ib_v, sem_s)
        c_cw = pltpu.async_copy(cross_hbm.at[cidx_v], cw_v, sem_s)
        c_uw.wait()
        c_ub.wait()
        c_iw.wait()
        c_ib.wait()
        c_cw.wait()

        def sum_body(i, _):
            s = pl.ds(i * L, L)
            ws_v[s] = (uw_v[s] + ub_v[s]) + (iw_v[s] + ib_v[s]) + cw_v[s]
            return 0
        lax.fori_loop(0, BPW // L, sum_body, 0, unroll=8)
        pltpu.sync_copy(ws_v, wide_out.at[pl.ds(base, BPW)])

        c_ue.wait()
        c_ie.wait()
        pltpu.sync_copy(ue_v, ue_out.at[pl.ds(base, BPW)])
        pltpu.sync_copy(ie_v, ie_out.at[pl.ds(base, BPW)])

    return k(uids, iids, uemb, iemb, uw, ub, iw, ib, cross_flat)


BM = 2048


def _mlp_body(ue_ref, ie_ref, wide_ref, W1u_ref, W1i_ref, b1_ref, W2_ref,
              b2_ref, W3_ref, b3_ref, Wo_ref, bob_ref, out_ref):
    h = jnp.dot(ue_ref[...], W1u_ref[...], preferred_element_type=jnp.float32)
    h += jnp.dot(ie_ref[...], W1i_ref[...], preferred_element_type=jnp.float32)
    h = jnp.maximum(h + b1_ref[...], 0.0)
    h = jnp.maximum(
        jnp.dot(h, W2_ref[...], preferred_element_type=jnp.float32)
        + b2_ref[...], 0.0)
    h = jnp.maximum(
        jnp.dot(h, W3_ref[...], preferred_element_type=jnp.float32)
        + b3_ref[...], 0.0)
    o = jnp.dot(h, Wo_ref[...], preferred_element_type=jnp.float32)
    out_ref[...] = o + bob_ref[...] + wide_ref[...]


def _tc_mlp(ue, ie, wide, W1u, W1i, b1r, W2, b2r, W3, b3r, Wo, bob):
    grid = (B // BM,)
    return pl.pallas_call(
        _mlp_body,
        grid=grid,
        in_specs=[
            pl.BlockSpec((BM, D), lambda i: (i, 0)),
            pl.BlockSpec((BM, D), lambda i: (i, 0)),
            pl.BlockSpec((BM, 1), lambda i: (i, 0)),
            pl.BlockSpec((D, 512), lambda i: (0, 0)),
            pl.BlockSpec((D, 512), lambda i: (0, 0)),
            pl.BlockSpec((1, 512), lambda i: (0, 0)),
            pl.BlockSpec((512, 256), lambda i: (0, 0)),
            pl.BlockSpec((1, 256), lambda i: (0, 0)),
            pl.BlockSpec((256, 128), lambda i: (0, 0)),
            pl.BlockSpec((1, 128), lambda i: (0, 0)),
            pl.BlockSpec((128, 1), lambda i: (0, 0)),
            pl.BlockSpec((1, 1), lambda i: (0, 0)),
        ],
        out_specs=pl.BlockSpec((BM, 1), lambda i: (i, 0)),
        out_shape=jax.ShapeDtypeStruct((B, 1), jnp.float32),
    )(ue, ie, wide, W1u, W1i, b1r, W2, b2r, W3, b3r, Wo, bob)


def kernel(user_ids, item_ids, user_emb, item_emb, user_wide, item_wide,
           cross, user_bias, item_bias, W1, b1, W2, b2, W3, b3, Wo, bo, bias):
    uids = user_ids.astype(jnp.int32)
    iids = item_ids.astype(jnp.int32)
    cross_flat = jnp.pad(cross, ((0, CROSS_PAD), (0, 0))).reshape(
        NCROSS + CROSS_PAD)
    ue, ie, wide = _sc_gather(
        uids, iids, user_emb, item_emb,
        user_wide.reshape(NU), user_bias.reshape(NU),
        item_wide.reshape(NI), item_bias.reshape(NI),
        cross_flat)
    out = _tc_mlp(
        ue, ie, wide.reshape(B, 1),
        W1[:D], W1[D:],
        b1.reshape(1, 512), W2, b2.reshape(1, 256), W3, b3.reshape(1, 128),
        Wo, (bo + bias).reshape(1, 1))
    return out

# --- scband reference (transcript-rebuilt; emitter-appended) ---
"""Pipeline reference for scband-model-31095563223413 (READ-ONLY COPY).

The authoritative reference and input builder live on the scoring server;
editing this copy changes nothing except your own understanding.
"""

import jax, jax.numpy as jnp
import numpy as np

B = 16384
NU = 100000
NI = 1000
D = 64


def setup_inputs(seed: int = 0) -> dict:
    key = jax.random.key(seed)
    ks = jax.random.split(key, 20)
    inp = {
        "user_ids": jax.random.randint(ks[0], (B,), 0, NU),
        "item_ids": jax.random.randint(ks[1], (B,), 0, NI),
        "user_emb": jax.random.normal(ks[2], (NU, D), dtype=jnp.float32) * 0.01,
        "item_emb": jax.random.normal(ks[3], (NI, D), dtype=jnp.float32) * 0.01,
        "user_wide": jax.random.normal(ks[4], (NU, 1), dtype=jnp.float32) * 0.01,
        "item_wide": jax.random.normal(ks[5], (NI, 1), dtype=jnp.float32) * 0.01,
        "cross": jax.random.normal(ks[6], (NU * NI, 1), dtype=jnp.float32) * 0.01,
        "user_bias": jax.random.normal(ks[7], (NU, 1), dtype=jnp.float32) * 0.01,
        "item_bias": jax.random.normal(ks[8], (NI, 1), dtype=jnp.float32) * 0.01,
        "W1": jax.random.normal(ks[9], (2 * D, 512), dtype=jnp.float32) * 0.02,
        "b1": jnp.zeros((512,), dtype=jnp.float32),
        "W2": jax.random.normal(ks[10], (512, 256), dtype=jnp.float32) * 0.02,
        "b2": jnp.zeros((256,), dtype=jnp.float32),
        "W3": jax.random.normal(ks[11], (256, 128), dtype=jnp.float32) * 0.02,
        "b3": jnp.zeros((128,), dtype=jnp.float32),
        "Wo": jax.random.normal(ks[12], (128, 1), dtype=jnp.float32) * 0.02,
        "bo": jnp.zeros((1,), dtype=jnp.float32),
        "bias": jnp.zeros((1,), dtype=jnp.float32),
    }
    return inp


def reference(user_ids, item_ids, user_emb, item_emb, user_wide, item_wide, cross,
              user_bias, item_bias, W1, b1, W2, b2, W3, b3, Wo, bo, bias):
    # wide part
    uw = jnp.take(user_wide, user_ids, axis=0)
    iw = jnp.take(item_wide, item_ids, axis=0)
    cross_idx = user_ids * NI + item_ids
    cw = jnp.take(cross, cross_idx, axis=0)
    wide_out = uw + iw + cw
    # deep part (dropout is identity in eval mode)
    ue = jnp.take(user_emb, user_ids, axis=0)
    ie = jnp.take(item_emb, item_ids, axis=0)
    h = jnp.concatenate([ue, ie], axis=1)
    h = jax.nn.relu(h @ W1 + b1)
    h = jax.nn.relu(h @ W2 + b2)
    h = jax.nn.relu(h @ W3 + b3)
    deep_out = h @ Wo + bo
    out = wide_out + deep_out + bias
    out = out + jnp.take(user_bias, user_ids, axis=0)
    out = out + jnp.take(item_bias, item_ids, axis=0)
    return out

if __name__ == "__main__":
    import jax
    _d = setup_inputs()
    print(jax.jit(kernel)(*tuple(_d.values())))

</pallas_src>

<mosaic_0001>
#map = affine_map<(d0, d1) -> (0)>
#map1 = affine_map<(d0, d1) -> (0, 0)>
module attributes {stable_mosaic.version = 14 : i64} {
  func.func @k(%arg0: i32, %arg1: i32, %arg2: memref<16384xi32, #tpu.memory_space<hbm>>, %arg3: memref<16384xi32, #tpu.memory_space<hbm>>, %arg4: memref<100000x64xf32, #tpu.memory_space<hbm>>, %arg5: memref<1000x64xf32, #tpu.memory_space<hbm>>, %arg6: memref<100000xf32, #tpu.memory_space<hbm>>, %arg7: memref<100000xf32, #tpu.memory_space<hbm>>, %arg8: memref<1000xf32, #tpu.memory_space<hbm>>, %arg9: memref<1000xf32, #tpu.memory_space<hbm>>, %arg10: memref<100000768xf32, #tpu.memory_space<hbm>>, %arg11: memref<16384x64xf32, #tpu.memory_space<hbm>>, %arg12: memref<16384x64xf32, #tpu.memory_space<hbm>>, %arg13: memref<16384xf32, #tpu.memory_space<hbm>>, %arg14: memref<512xi32, #tpu.memory_space<vmem>>, %arg15: memref<512xi32, #tpu.memory_space<vmem>>, %arg16: memref<512xi32, #tpu.memory_space<vmem>>, %arg17: memref<512x64xf32, #tpu.memory_space<vmem>>, %arg18: memref<512x64xf32, #tpu.memory_space<vmem>>, %arg19: memref<512xf32, #tpu.memory_space<vmem>>, %arg20: memref<512xf32, #tpu.memory_space<vmem>>, %arg21: memref<512xf32, #tpu.memory_space<vmem>>, %arg22: memref<512xf32, #tpu.memory_space<vmem>>, %arg23: memref<512xf32, #tpu.memory_space<vmem>>, %arg24: memref<512xf32, #tpu.memory_space<vmem>>, %arg25: memref<!tpu.dma_semaphore, #tpu.memory_space<semaphore_mem>>, %arg26: memref<!tpu.dma_semaphore, #tpu.memory_space<semaphore_mem>>) attributes {dimension_semantics = [#tpu.dimension_semantics<core_parallel>, #tpu.dimension_semantics<subcore_parallel>], iteration_bounds = array<i64: 2, 16>, scalar_prefetch = 0 : i64, scratch_operands = 13 : i64, tpu.core_type = #tpu.core_type<sc_vector_subcore>, window_params = [{transform_indices = #map}, {transform_indices = #map}, {transform_indices = #map1}, {transform_indices = #map1}, {transform_indices = #map}, {transform_indices = #map}, {transform_indices = #map}, {transform_indices = #map}, {transform_indices = #map}, {transform_indices = #map1}, {transform_indices = #map1}, {transform_indices = #map}]} {
    %mul3A = arith.constant 2 : i32
    %mul3A_0 = arith.muli %arg1, %mul3A : i32
    %add3A = arith.addi %mul3A_0, %arg0 : i32
    %mul3A_1 = arith.constant 512 : i32
    %mul3A_2 = arith.muli %add3A, %mul3A_1 : i32
    "tpu.region"() ({
      %run_scoped3A = tpu.sem_alloc : memref<!tpu.dma_semaphore, #tpu.memory_space<semaphore_mem>>
      %dma_start3A_46 = tpu.memref_slice %arg2[%mul3A_2] : memref<16384xi32, #tpu.memory_space<hbm>> -> memref<512xi32, #tpu.memory_space<hbm>>
      %dma_start3A_47 = tpu.memref_slice %arg2[%mul3A_2] : memref<16384xi32, #tpu.memory_space<hbm>> -> memref<512xi32, #tpu.memory_space<hbm>>
      tpu.enqueue_dma source(%dma_start3A_47 : memref<512xi32, #tpu.memory_space<hbm>>) target(%arg14 : memref<512xi32, #tpu.memory_space<vmem>>) target_semaphore(%run_scoped3A : memref<!tpu.dma_semaphore, #tpu.memory_space<semaphore_mem>>)
      %dma_wait3A_48 = tpu.memref_slice %arg2[%mul3A_2] : memref<16384xi32, #tpu.memory_space<hbm>> -> memref<512xi32, #tpu.memory_space<hbm>>
      %dma_wait3A_49 = tpu.memref_slice %arg2[%mul3A_2] : memref<16384xi32, #tpu.memory_space<hbm>> -> memref<512xi32, #tpu.memory_space<hbm>>
      tpu.wait_dma2 semaphore(%run_scoped3A : memref<!tpu.dma_semaphore, #tpu.memory_space<semaphore_mem>>) src(%dma_wait3A_49 : memref<512xi32, #tpu.memory_space<hbm>>) dst(%arg14 : memref<512xi32, #tpu.memory_space<vmem>>)
      tpu.yield
    }) : () -> ()
    "tpu.region"() ({
      %run_scoped3A = tpu.sem_alloc : memref<!tpu.dma_semaphore, #tpu.memory_space<semaphore_mem>>
      %dma_start3A_46 = tpu.memref_slice %arg3[%mul3A_2] : memref<16384xi32, #tpu.memory_space<hbm>> -> memref<512xi32, #tpu.memory_space<hbm>>
      %dma_start3A_47 = tpu.memref_slice %arg3[%mul3A_2] : memref<16384xi32, #tpu.memory_space<hbm>> -> memref<512xi32, #tpu.memory_space<hbm>>
      tpu.enqueue_dma source(%dma_start3A_47 : memref<512xi32, #tpu.memory_space<hbm>>) target(%arg15 : memref<512xi32, #tpu.memory_space<vmem>>) target_semaphore(%run_scoped3A : memref<!tpu.dma_semaphore, #tpu.memory_space<semaphore_mem>>)
      %dma_wait3A_48 = tpu.memref_slice %arg3[%mul3A_2] : memref<16384xi32, #tpu.memory_space<hbm>> -> memref<512xi32, #tpu.memory_space<hbm>>
      %dma_wait3A_49 = tpu.memref_slice %arg3[%mul3A_2] : memref<16384xi32, #tpu.memory_space<hbm>> -> memref<512xi32, #tpu.memory_space<hbm>>
      tpu.wait_dma2 semaphore(%run_scoped3A : memref<!tpu.dma_semaphore, #tpu.memory_space<semaphore_mem>>) src(%dma_wait3A_49 : memref<512xi32, #tpu.memory_space<hbm>>) dst(%arg15 : memref<512xi32, #tpu.memory_space<vmem>>)
      tpu.yield
    }) : () -> ()
    %dma_start3A = arith.constant 0 : i32
    %dma_start3A_3 = arith.constant 0 : i32
    %dma_start3A_4 = tpu.memref_slice %arg4[%dma_start3A, %dma_start3A_3] : memref<100000x64xf32, #tpu.memory_space<hbm>> -> memref<100000x64xf32, #tpu.memory_space<hbm>>
    tpu.enqueue_indirect_dma source(%dma_start3A_4 : memref<100000x64xf32, #tpu.memory_space<hbm>>) target(%arg17 : memref<512x64xf32, #tpu.memory_space<vmem>>) offsets(%arg14 : memref<512xi32, #tpu.memory_space<vmem>>) semaphore(%arg25 : memref<!tpu.dma_semaphore, #tpu.memory_space<semaphore_mem>>)
    %dma_start3A_5 = arith.constant 0 : i32
    %dma_start3A_6 = arith.constant 0 : i32
    %dma_start3A_7 = tpu.memref_slice %arg5[%dma_start3A_5, %dma_start3A_6] : memref<1000x64xf32, #tpu.memory_space<hbm>> -> memref<1000x64xf32, #tpu.memory_space<hbm>>
    tpu.enqueue_indirect_dma source(%dma_start3A_7 : memref<1000x64xf32, #tpu.memory_space<hbm>>) target(%arg18 : memref<512x64xf32, #tpu.memory_space<vmem>>) offsets(%arg15 : memref<512xi32, #tpu.memory_space<vmem>>) semaphore(%arg25 : memref<!tpu.dma_semaphore, #tpu.memory_space<semaphore_mem>>)
    %scan3A = arith.constant 0 : i32
    %scan3A_8 = arith.constant 0 : i32
    %scan3A_9 = arith.constant 32 : i32
    %scan3A_10 = arith.addi %scan3A_8, %scan3A_9 : i32
    %scan3A_11 = arith.constant 8 : i32
    %scan3A_12 = scf.for %scan3A_46 = %scan3A_8 to %scan3A_10 step %scan3A_11 iter_args(%scan3A_47 = %scan3A) -> (i32)  : i32 {
      %mul3A_48 = arith.constant 16 : i32
      %mul3A_49 = arith.muli %scan3A_46, %mul3A_48 : i32
      %get3A = arith.index_cast %mul3A_49 : i32 to index
      %get3A_50 = tpu.vector_load %arg14[%get3A] {strides = array<i32>} : memref<512xi32, #tpu.memory_space<vmem>>, vector<16xi32>,
      %get3A_51 = vector.shape_cast %get3A_50 : vector<16xi32> to vector<16xi32>
      %mul3A_52 = arith.constant 1000 : i32
      %mul3A_53 = vector.broadcast %mul3A_52 : i32 to vector<16xi32>
      %mul3A_54 = arith.muli %get3A_51, %mul3A_53 : vector<16xi32>
      %get3A_55 = arith.index_cast %mul3A_49 : i32 to index
      %get3A_56 = tpu.vector_load %arg15[%get3A_55] {strides = array<i32>} : memref<512xi32, #tpu.memory_space<vmem>>, vector<16xi32>,
      %get3A_57 = vector.shape_cast %get3A_56 : vector<16xi32> to vector<16xi32>
      %add3A_58 = arith.addi %mul3A_54, %get3A_57 : vector<16xi32>
      %swap3A = arith.index_cast %mul3A_49 : i32 to index
      %swap3A_59 = tpu.vector_load %arg16[%swap3A] {strides = array<i32>} : memref<512xi32, #tpu.memory_space<vmem>>, vector<16xi32>,
      %swap3A_60 = vector.shape_cast %swap3A_59 : vector<16xi32> to vector<16xi32>
      %swap3A_61 = vector.shape_cast %add3A_58 : vector<16xi32> to vector<16xi32>
      tpu.vector_store %arg16[%swap3A], %swap3A_61 {strides = array<i32>} : memref<512xi32, #tpu.memory_space<vmem>>, vector<16xi32>,
      %scan3A_62 = arith.constant 0 : i32
      %scan3A_63 = arith.constant 1 : i32
      %scan3A_64 = arith.addi %scan3A_46, %scan3A_63 : i32
      %mul3A_65 = arith.constant 16 : i32
      %mul3A_66 = arith.muli %scan3A_64, %mul3A_65 : i32
      %get3A_67 = arith.index_cast %mul3A_66 : i32 to index
      %get3A_68 = tpu.vector_load %arg14[%get3A_67] {strides = array<i32>} : memref<512xi32, #tpu.memory_space<vmem>>, vector<16xi32>,
      %get3A_69 = vector.shape_cast %get3A_68 : vector<16xi32> to vector<16xi32>
      %mul3A_70 = arith.constant 1000 : i32
      %mul3A_71 = vector.broadcast %mul3A_70 : i32 to vector<16xi32>
      %mul3A_72 = arith.muli %get3A_69, %mul3A_71 : vector<16xi32>
      %get3A_73 = arith.index_cast %mul3A_66 : i32 to index
      %get3A_74 = tpu.vector_load %arg15[%get3A_73] {strides = array<i32>} : memref<512xi32, #tpu.memory_space<vmem>>, vector<16xi32>,
      %get3A_75 = vector.shape_cast %get3A_74 : vector<16xi32> to vector<16xi32>
      %add3A_76 = arith.addi %mul3A_72, %get3A_75 : vector<16xi32>
      %swap3A_77 = arith.index_cast %mul3A_66 : i32 to index
      %swap3A_78 = tpu.vector_load %arg16[%swap3A_77] {strides = array<i32>} : memref<512xi32, #tpu.memory_space<vmem>>, vector<16xi32>,
      %swap3A_79 = vector.shape_cast %swap3A_78 : vector<16xi32> to vector<16xi32>
      %swap3A_80 = vector.shape_cast %add3A_76 : vector<16xi32> to vector<16xi32>
      tpu.vector_store %arg16[%swap3A_77], %swap3A_80 {strides = array<i32>} : memref<512xi32, #tpu.memory_space<vmem>>, vector<16xi32>,
      %scan3A_81 = arith.constant 0 : i32
      %scan3A_82 = arith.constant 2 : i32
      %scan3A_83 = arith.addi %scan3A_46, %scan3A_82 : i32
      %mul3A_84 = arith.constant 16 : i32
      %mul3A_85 = arith.muli %scan3A_83, %mul3A_84 : i32
      %get3A_86 = arith.index_cast %mul3A_85 : i32 to index
      %get3A_87 = tpu.vector_load %arg14[%get3A_86] {strides = array<i32>} : memref<512xi32, #tpu.memory_space<vmem>>, vector<16xi32>,
      %get3A_88 = vector.shape_cast %get3A_87 : vector<16xi32> to vector<16xi32>
      %mul3A_89 = arith.constant 1000 : i32
      %mul3A_90 = vector.broadcast %mul3A_89 : i32 to vector<16xi32>
      %mul3A_91 = arith.muli %get3A_88, %mul3A_90 : vector<16xi32>
      %get3A_92 = arith.index_cast %mul3A_85 : i32 to index
      %get3A_93 = tpu.vector_load %arg15[%get3A_92] {strides = array<i32>} : memref<512xi32, #tpu.memory_space<vmem>>, vector<16xi32>,
      %get3A_94 = vector.shape_cast %get3A_93 : vector<16xi32> to vector<16xi32>
      %add3A_95 = arith.addi %mul3A_91, %get3A_94 : vector<16xi32>
      %swap3A_96 = arith.index_cast %mul3A_85 : i32 to index
      %swap3A_97 = tpu.vector_load %arg16[%swap3A_96] {strides = array<i32>} : memref<512xi32, #tpu.memory_space<vmem>>, vector<16xi32>,
      %swap3A_98 = vector.shape_cast %swap3A_97 : vector<16xi32> to vector<16xi32>
      %swap3A_99 = vector.shape_cast %add3A_95 : vector<16xi32> to vector<16xi32>
      tpu.vector_store %arg16[%swap3A_96], %swap3A_99 {strides = array<i32>} : memref<512xi32, #tpu.memory_space<vmem>>, vector<16xi32>,
      %scan3A_100 = arith.constant 0 : i32
      %scan3A_101 = arith.constant 3 : i32
      %scan3A_102 = arith.addi %scan3A_46, %scan3A_101 : i32
      %mul3A_103 = arith.constant 16 : i32
      %mul3A_104 = arith.muli %scan3A_102, %mul3A_103 : i32
      %get3A_105 = arith.index_cast %mul3A_104 : i32 to index
      %get3A_106 = tpu.vector_load %arg14[%get3A_105] {strides = array<i32>} : memref<512xi32, #tpu.memory_space<vmem>>, vector<16xi32>,
      %get3A_107 = vector.shape_cast %get3A_106 : vector<16xi32> to vector<16xi32>
      %mul3A_108 = arith.constant 1000 : i32
      %mul3A_109 = vector.broadcast %mul3A_108 : i32 to vector<16xi32>
      %mul3A_110 = arith.muli %get3A_107, %mul3A_109 : vector<16xi32>
      %get3A_111 = arith.index_cast %mul3A_104 : i32 to index
      %get3A_112 = tpu.vector_load %arg15[%get3A_111] {strides = array<i32>} : memref<512xi32, #tpu.memory_space<vmem>>, vector<16xi32>,
      %get3A_113 = vector.shape_cast %get3A_112 : vector<16xi32> to vector<16xi32>
      %add3A_114 = arith.addi %mul3A_110, %get3A_113 : vector<16xi32>
      %swap3A_115 = arith.index_cast %mul3A_104 : i32 to index
      %swap3A_116 = tpu.vector_load %arg16[%swap3A_115] {strides = array<i32>} : memref<512xi32, #tpu.memory_space<vmem>>, vector<16xi32>,
      %swap3A_117 = vector.shape_cast %swap3A_116 : vector<16xi32> to vector<16xi32>
      %swap3A_118 = vector.shape_cast %add3A_114 : vector<16xi32> to vector<16xi32>
      tpu.vector_store %arg16[%swap3A_115], %swap3A_118 {strides = array<i32>} : memref<512xi32, #tpu.memory_space<vmem>>, vector<16xi32>,
      %scan3A_119 = arith.constant 0 : i32
      %scan3A_120 = arith.constant 4 : i32
      %scan3A_121 = arith.addi %scan3A_46, %scan3A_120 : i32
      %mul3A_122 = arith.constant 16 : i32
      %mul3A_123 = arith.muli %scan3A_121, %mul3A_122 : i32
      %get3A_124 = arith.index_cast %mul3A_123 : i32 to index
      %get3A_125 = tpu.vector_load %arg14[%get3A_124] {strides = array<i32>} : memref<512xi32, #tpu.memory_space<vmem>>, vector<16xi32>,
      %get3A_126 = vector.shape_cast %get3A_125 : vector<16xi32> to vector<16xi32>
      %mul3A_127 = arith.constant 1000 : i32
      %mul3A_128 = vector.broadcast %mul3A_127 : i32 to vector<16xi32>
      %mul3A_129 = arith.muli %get3A_126, %mul3A_128 : vector<16xi32>
      %get3A_130 = arith.index_cast %mul3A_123 : i32 to index
      %get3A_131 = tpu.vector_load %arg15[%get3A_130] {strides = array<i32>} : memref<512xi32, #tpu.memory_space<vmem>>, vector<16xi32>,
      %get3A_132 = vector.shape_cast %get3A_131 : vector<16xi32> to vector<16xi32>
      %add3A_133 = arith.addi %mul3A_129, %get3A_132 : vector<16xi32>
      %swap3A_134 = arith.index_cast %mul3A_123 : i32 to index
      %swap3A_135 = tpu.vector_load %arg16[%swap3A_134] {strides = array<i32>} : memref<512xi32, #tpu.memory_space<vmem>>, vector<16xi32>,
      %swap3A_136 = vector.shape_cast %swap3A_135 : vector<16xi32> to vector<16xi32>
      %swap3A_137 = vector.shape_cast %add3A_133 : vector<16xi32> to vector<16xi32>
      tpu.vector_store %arg16[%swap3A_134], %swap3A_137 {strides = array<i32>} : memref<512xi32, #tpu.memory_space<vmem>>, vector<16xi32>,
      %scan3A_138 = arith.constant 0 : i32
      %scan3A_139 = arith.constant 5 : i32
      %scan3A_140 = arith.addi %scan3A_46, %scan3A_139 : i32
      %mul3A_141 = arith.constant 16 : i32
      %mul3A_142 = arith.muli %scan3A_140, %mul3A_141 : i32
      %get3A_143 = arith.index_cast %mul3A_142 : i32 to index
      %get3A_144 = tpu.vector_load %arg14[%get3A_143] {strides = array<i32>} : memref<512xi32, #tpu.memory_space<vmem>>, vector<16xi32>,
      %get3A_145 = vector.shape_cast %get3A_144 : vector<16xi32> to vector<16xi32>
      %mul3A_146 = arith.constant 1000 : i32
      %mul3A_147 = vector.broadcast %mul3A_146 : i32 to vector<16xi32>
      %mul3A_148 = arith.muli %get3A_145, %mul3A_147 : vector<16xi32>
      %get3A_149 = arith.index_cast %mul3A_142 : i32 to index
      %get3A_150 = tpu.vector_load %arg15[%get3A_149] {strides = array<i32>} : memref<512xi32, #tpu.memory_space<vmem>>, vector<16xi32>,
      %get3A_151 = vector.shape_cast %get3A_150 : vector<16xi32> to vector<16xi32>
      %add3A_152 = arith.addi %mul3A_148, %get3A_151 : vector<16xi32>
      %swap3A_153 = arith.index_cast %mul3A_142 : i32 to index
      %swap3A_154 = tpu.vector_load %arg16[%swap3A_153] {strides = array<i32>} : memref<512xi32, #tpu.memory_space<vmem>>, vector<16xi32>,
      %swap3A_155 = vector.shape_cast %swap3A_154 : vector<16xi32> to vector<16xi32>
      %swap3A_156 = vector.shape_cast %add3A_152 : vector<16xi32> to vector<16xi32>
      tpu.vector_store %arg16[%swap3A_153], %swap3A_156 {strides = array<i32>} : memref<512xi32, #tpu.memory_space<vmem>>, vector<16xi32>,
      %scan3A_157 = arith.constant 0 : i32
      %scan3A_158 = arith.constant 6 : i32
      %scan3A_159 = arith.addi %scan3A_46, %scan3A_158 : i32
      %mul3A_160 = arith.constant 16 : i32
      %mul3A_161 = arith.muli %scan3A_159, %mul3A_160 : i32
      %get3A_162 = arith.index_cast %mul3A_161 : i32 to index
      %get3A_163 = tpu.vector_load %arg14[%get3A_162] {strides = array<i32>} : memref<512xi32, #tpu.memory_space<vmem>>, vector<16xi32>,
      %get3A_164 = vector.shape_cast %get3A_163 : vector<16xi32> to vector<16xi32>
      %mul3A_165 = arith.constant 1000 : i32
      %mul3A_166 = vector.broadcast %mul3A_165 : i32 to vector<16xi32>
      %mul3A_167 = arith.muli %get3A_164, %mul3A_166 : vector<16xi32>
      %get3A_168 = arith.index_cast %mul3A_161 : i32 to index
      %get3A_169 = tpu.vector_load %arg15[%get3A_168] {strides = array<i32>} : memref<512xi32, #tpu.memory_space<vmem>>, vector<16xi32>,
      %get3A_170 = vector.shape_cast %get3A_169 : vector<16xi32> to vector<16xi32>
      %add3A_171 = arith.addi %mul3A_167, %get3A_170 : vector<16xi32>
      %swap3A_172 = arith.index_cast %mul3A_161 : i32 to index
      %swap3A_173 = tpu.vector_load %arg16[%swap3A_172] {strides = array<i32>} : memref<512xi32, #tpu.memory_space<vmem>>, vector<16xi32>,
      %swap3A_174 = vector.shape_cast %swap3A_173 : vector<16xi32> to vector<16xi32>
      %swap3A_175 = vector.shape_cast %add3A_171 : vector<16xi32> to vector<16xi32>
      tpu.vector_store %arg16[%swap3A_172], %swap3A_175 {strides = array<i32>} : memref<512xi32, #tpu.memory_space<vmem>>, vector<16xi32>,
      %scan3A_176 = arith.constant 0 : i32
      %scan3A_177 = arith.constant 7 : i32
      %scan3A_178 = arith.addi %scan3A_46, %scan3A_177 : i32
      %mul3A_179 = arith.constant 16 : i32
      %mul3A_180 = arith.muli %scan3A_178, %mul3A_179 : i32
      %get3A_181 = arith.index_cast %mul3A_180 : i32 to index
      %get3A_182 = tpu.vector_load %arg14[%get3A_181] {strides = array<i32>} : memref<512xi32, #tpu.memory_space<vmem>>, vector<16xi32>,
      %get3A_183 = vector.shape_cast %get3A_182 : vector<16xi32> to vector<16xi32>
      %mul3A_184 = arith.constant 1000 : i32
      %mul3A_185 = vector.broadcast %mul3A_184 : i32 to vector<16xi32>
      %mul3A_186 = arith.muli %get3A_183, %mul3A_185 : vector<16xi32>
      %get3A_187 = arith.index_cast %mul3A_180 : i32 to index
      %get3A_188 = tpu.vector_load %arg15[%get3A_187] {strides = array<i32>} : memref<512xi32, #tpu.memory_space<vmem>>, vector<16xi32>,
      %get3A_189 = vector.shape_cast %get3A_188 : vector<16xi32> to vector<16xi32>
      %add3A_190 = arith.addi %mul3A_186, %get3A_189 : vector<16xi32>
      %swap3A_191 = arith.index_cast %mul3A_180 : i32 to index
      %swap3A_192 = tpu.vector_load %arg16[%swap3A_191] {strides = array<i32>} : memref<512xi32, #tpu.memory_space<vmem>>, vector<16xi32>,
      %swap3A_193 = vector.shape_cast %swap3A_192 : vector<16xi32> to vector<16xi32>
      %swap3A_194 = vector.shape_cast %add3A_190 : vector<16xi32> to vector<16xi32>
      tpu.vector_store %arg16[%swap3A_191], %swap3A_194 {strides = array<i32>} : memref<512xi32, #tpu.memory_space<vmem>>, vector<16xi32>,
      %scan3A_195 = arith.constant 0 : i32
      scf.yield %scan3A_195 : i32
    }
    %scan3A_13 = arith.constant 32 : i32
    %dma_start3A_14 = arith.constant 0 : i32
    %dma_start3A_15 = tpu.memref_slice %arg6[%dma_start3A_14] : memref<100000xf32, #tpu.memory_space<hbm>> -> memref<100000xf32, #tpu.memory_space<hbm>>
    tpu.enqueue_indirect_dma source(%dma_start3A_15 : memref<100000xf32, #tpu.memory_space<hbm>>) target(%arg19 : memref<512xf32, #tpu.memory_space<vmem>>) offsets(%arg14 : memref<512xi32, #tpu.memory_space<vmem>>) semaphore(%arg26 : memref<!tpu.dma_semaphore, #tpu.memory_space<semaphore_mem>>)
    %dma_start3A_16 = arith.constant 0 : i32
    %dma_start3A_17 = tpu.memref_slice %arg7[%dma_start3A_16] : memref<100000xf32, #tpu.memory_space<hbm>> -> memref<100000xf32, #tpu.memory_space<hbm>>
    tpu.enqueue_indirect_dma source(%dma_start3A_17 : memref<100000xf32, #tpu.memory_space<hbm>>) target(%arg20 : memref<512xf32, #tpu.memory_space<vmem>>) offsets(%arg14 : memref<512xi32, #tpu.memory_space<vmem>>) semaphore(%arg26 : memref<!tpu.dma_semaphore, #tpu.memory_space<semaphore_mem>>)
    %dma_start3A_18 = arith.constant 0 : i32
    %dma_start3A_19 = tpu.memref_slice %arg8[%dma_start3A_18] : memref<1000xf32, #tpu.memory_space<hbm>> -> memref<1000xf32, #tpu.memory_space<hbm>>
    tpu.enqueue_indirect_dma source(%dma_start3A_19 : memref<1000xf32, #tpu.memory_space<hbm>>) target(%arg21 : memref<512xf32, #tpu.memory_space<vmem>>) offsets(%arg15 : memref<512xi32, #tpu.memory_space<vmem>>) semaphore(%arg26 : memref<!tpu.dma_semaphore, #tpu.memory_space<semaphore_mem>>)
    %dma_start3A_20 = arith.constant 0 : i32
    %dma_start3A_21 = tpu.memref_slice %arg9[%dma_start3A_20] : memref<1000xf32, #tpu.memory_space<hbm>> -> memref<1000xf32, #tpu.memory_space<hbm>>
    tpu.enqueue_indirect_dma source(%dma_start3A_21 : memref<1000xf32, #tpu.memory_space<hbm>>) target(%arg22 : memref<512xf32, #tpu.memory_space<vmem>>) offsets(%arg15 : memref<512xi32, #tpu.memory_space<vmem>>) semaphore(%arg26 : memref<!tpu.dma_semaphore, #tpu.memory_space<semaphore_mem>>)
    %dma_start3A_22 = arith.constant 0 : i32
    %dma_start3A_23 = tpu.memref_slice %arg10[%dma_start3A_22] : memref<100000768xf32, #tpu.memory_space<hbm>> -> memref<100000768xf32, #tpu.memory_space<hbm>>
    tpu.enqueue_indirect_dma source(%dma_start3A_23 : memref<100000768xf32, #tpu.memory_space<hbm>>) target(%arg23 : memref<512xf32, #tpu.memory_space<vmem>>) offsets(%arg16 : memref<512xi32, #tpu.memory_space<vmem>>) semaphore(%arg26 : memref<!tpu.dma_semaphore, #tpu.memory_space<semaphore_mem>>)
    %dma_wait3A = arith.constant 0 : i32
    %dma_wait3A_24 = tpu.memref_slice %arg6[%dma_wait3A] : memref<100000xf32, #tpu.memory_space<hbm>> -> memref<100000xf32, #tpu.memory_space<hbm>>
    tpu.wait_indirect_dma semaphore(%arg26 : memref<!tpu.dma_semaphore, #tpu.memory_space<semaphore_mem>>) src(%dma_wait3A_24 : memref<100000xf32, #tpu.memory_space<hbm>>) dst(%arg19 : memref<512xf32, #tpu.memory_space<vmem>>)
    %dma_wait3A_25 = arith.constant 0 : i32
    %dma_wait3A_26 = tpu.memref_slice %arg7[%dma_wait3A_25] : memref<100000xf32, #tpu.memory_space<hbm>> -> memref<100000xf32, #tpu.memory_space<hbm>>
    tpu.wait_indirect_dma semaphore(%arg26 : memref<!tpu.dma_semaphore, #tpu.memory_space<semaphore_mem>>) src(%dma_wait3A_26 : memref<100000xf32, #tpu.memory_space<hbm>>) dst(%arg20 : memref<512xf32, #tpu.memory_space<vmem>>)
    %dma_wait3A_27 = arith.constant 0 : i32
    %dma_wait3A_28 = tpu.memref_slice %arg8[%dma_wait3A_27] : memref<1000xf32, #tpu.memory_space<hbm>> -> memref<1000xf32, #tpu.memory_space<hbm>>
    tpu.wait_indirect_dma semaphore(%arg26 : memref<!tpu.dma_semaphore, #tpu.memory_space<semaphore_mem>>) src(%dma_wait3A_28 : memref<1000xf32, #tpu.memory_space<hbm>>) dst(%arg21 : memref<512xf32, #tpu.memory_space<vmem>>)
    %dma_wait3A_29 = arith.constant 0 : i32
    %dma_wait3A_30 = tpu.memref_slice %arg9[%dma_wait3A_29] : memref<1000xf32, #tpu.memory_space<hbm>> -> memref<1000xf32, #tpu.memory_space<hbm>>
    tpu.wait_indirect_dma semaphore(%arg26 : memref<!tpu.dma_semaphore, #tpu.memory_space<semaphore_mem>>) src(%dma_wait3A_30 : memref<1000xf32, #tpu.memory_space<hbm>>) dst(%arg22 : memref<512xf32, #tpu.memory_space<vmem>>)
    %dma_wait3A_31 = arith.constant 0 : i32
    %dma_wait3A_32 = tpu.memref_slice %arg10[%dma_wait3A_31] : memref<100000768xf32, #tpu.memory_space<hbm>> -> memref<100000768xf32, #tpu.memory_space<hbm>>
    tpu.wait_indirect_dma semaphore(%arg26 : memref<!tpu.dma_semaphore, #tpu.memory_space<semaphore_mem>>) src(%dma_wait3A_32 : memref<100000768xf32, #tpu.memory_space<hbm>>) dst(%arg23 : memref<512xf32, #tpu.memory_space<vmem>>)
    %scan3A_33 = arith.constant 0 : i32
    %scan3A_34 = arith.constant 0 : i32
    %scan3A_35 = arith.constant 32 : i32
    %scan3A_36 = arith.addi %scan3A_34, %scan3A_35 : i32
    %scan3A_37 = arith.constant 8 : i32
    %scan3A_38 = scf.for %scan3A_46 = %scan3A_34 to %scan3A_36 step %scan3A_37 iter_args(%scan3A_47 = %scan3A_33) -> (i32)  : i32 {
      %mul3A_48 = arith.constant 16 : i32
      %mul3A_49 = arith.muli %scan3A_46, %mul3A_48 : i32
      %get3A = arith.index_cast %mul3A_49 : i32 to index
      %get3A_50 = tpu.vector_load %arg19[%get3A] {strides = array<i32>} : memref<512xf32, #tpu.memory_space<vmem>>, vector<16xf32>,
      %get3A_51 = vector.shape_cast %get3A_50 : vector<16xf32> to vector<16xf32>
      %get3A_52 = arith.index_cast %mul3A_49 : i32 to index
      %get3A_53 = tpu.vector_load %arg20[%get3A_52] {strides = array<i32>} : memref<512xf32, #tpu.memory_space<vmem>>, vector<16xf32>,
      %get3A_54 = vector.shape_cast %get3A_53 : vector<16xf32> to vector<16xf32>
      %add3A_55 = arith.addf %get3A_51, %get3A_54 : vector<16xf32>
      %get3A_56 = arith.index_cast %mul3A_49 : i32 to index
      %get3A_57 = tpu.vector_load %arg21[%get3A_56] {strides = array<i32>} : memref<512xf32, #tpu.memory_space<vmem>>, vector<16xf32>,
      %get3A_58 = vector.shape_cast %get3A_57 : vector<16xf32> to vector<16xf32>
      %get3A_59 = arith.index_cast %mul3A_49 : i32 to index
      %get3A_60 = tpu.vector_load %arg22[%get3A_59] {strides = array<i32>} : memref<512xf32, #tpu.memory_space<vmem>>, vector<16xf32>,
      %get3A_61 = vector.shape_cast %get3A_60 : vector<16xf32> to vector<16xf32>
      %add3A_62 = arith.addf %get3A_58, %get3A_61 : vector<16xf32>
      %add3A_63 = arith.addf %add3A_55, %add3A_62 : vector<16xf32>
      %get3A_64 = arith.index_cast %mul3A_49 : i32 to index
      %get3A_65 = tpu.vector_load %arg23[%get3A_64] {strides = array<i32>} : memref<512xf32, #tpu.memory_space<vmem>>, vector<16xf32>,
      %get3A_66 = vector.shape_cast %get3A_65 : vector<16xf32> to vector<16xf32>
      %add3A_67 = arith.addf %add3A_63, %get3A_66 : vector<16xf32>
      %swap3A = arith.index_cast %mul3A_49 : i32 to index
      %swap3A_68 = tpu.vector_load %arg24[%swap3A] {strides = array<i32>} : memref<512xf32, #tpu.memory_space<vmem>>, vector<16xf32>,
      %swap3A_69 = vector.shape_cast %swap3A_68 : vector<16xf32> to vector<16xf32>
      %swap3A_70 = vector.shape_cast %add3A_67 : vector<16xf32> to vector<16xf32>
      tpu.vector_store %arg24[%swap3A], %swap3A_70 {strides = array<i32>} : memref<512xf32, #tpu.memory_space<vmem>>, vector<16xf32>,
      %scan3A_71 = arith.constant 0 : i32
      %scan3A_72 = arith.constant 1 : i32
      %scan3A_73 = arith.addi %scan3A_46, %scan3A_72 : i32
      %mul3A_74 = arith.constant 16 : i32
      %mul3A_75 = arith.muli %scan3A_73, %mul3A_74 : i32
      %get3A_76 = arith.index_cast %mul3A_75 : i32 to index
      %get3A_77 = tpu.vector_load %arg19[%get3A_76] {strides = array<i32>} : memref<512xf32, #tpu.memory_space<vmem>>, vector<16xf32>,
      %get3A_78 = vector.shape_cast %get3A_77 : vector<16xf32> to vector<16xf32>
      %get3A_79 = arith.index_cast %mul3A_75 : i32 to index
      %get3A_80 = tpu.vector_load %arg20[%get3A_79] {strides = array<i32>} : memref<512xf32, #tpu.memory_space<vmem>>, vector<16xf32>,
      %get3A_81 = vector.shape_cast %get3A_80 : vector<16xf32> to vector<16xf32>
      %add3A_82 = arith.addf %get3A_78, %get3A_81 : vector<16xf32>
      %get3A_83 = arith.index_cast %mul3A_75 : i32 to index
      %get3A_84 = tpu.vector_load %arg21[%get3A_83] {strides = array<i32>} : memref<512xf32, #tpu.memory_space<vmem>>, vector<16xf32>,
      %get3A_85 = vector.shape_cast %get3A_84 : vector<16xf32> to vector<16xf32>
      %get3A_86 = arith.index_cast %mul3A_75 : i32 to index
      %get3A_87 = tpu.vector_load %arg22[%get3A_86] {strides = array<i32>} : memref<512xf32, #tpu.memory_space<vmem>>, vector<16xf32>,
      %get3A_88 = vector.shape_cast %get3A_87 : vector<16xf32> to vector<16xf32>
      %add3A_89 = arith.addf %get3A_85, %get3A_88 : vector<16xf32>
      %add3A_90 = arith.addf %add3A_82, %add3A_89 : vector<16xf32>
      %get3A_91 = arith.index_cast %mul3A_75 : i32 to index
      %get3A_92 = tpu.vector_load %arg23[%get3A_91] {strides = array<i32>} : memref<512xf32, #tpu.memory_space<vmem>>, vector<16xf32>,
      %get3A_93 = vector.shape_cast %get3A_92 : vector<16xf32> to vector<16xf32>
      %add3A_94 = arith.addf %add3A_90, %get3A_93 : vector<16xf32>
      %swap3A_95 = arith.index_cast %mul3A_75 : i32 to index
      %swap3A_96 = tpu.vector_load %arg24[%swap3A_95] {strides = array<i32>} : memref<512xf32, #tpu.memory_space<vmem>>, vector<16xf32>,
      %swap3A_97 = vector.shape_cast %swap3A_96 : vector<16xf32> to vector<16xf32>
      %swap3A_98 = vector.shape_cast %add3A_94 : vector<16xf32> to vector<16xf32>
      tpu.vector_store %arg24[%swap3A_95], %swap3A_98 {strides = array<i32>} : memref<512xf32, #tpu.memory_space<vmem>>, vector<16xf32>,
      %scan3A_99 = arith.constant 0 : i32
      %scan3A_100 = arith.constant 2 : i32
      %scan3A_101 = arith.addi %scan3A_46, %scan3A_100 : i32
      %mul3A_102 = arith.constant 16 : i32
      %mul3A_103 = arith.muli %scan3A_101, %mul3A_102 : i32
      %get3A_104 = arith.index_cast %mul3A_103 : i32 to index
      %get3A_105 = tpu.vector_load %arg19[%get3A_104] {strides = array<i32>} : memref<512xf32, #tpu.memory_space<vmem>>, vector<16xf32>,
      %get3A_106 = vector.shape_cast %get3A_105 : vector<16xf32> to vector<16xf32>
      %get3A_107 = arith.index_cast %mul3A_103 : i32 to index
      %get3A_108 = tpu.vector_load %arg20[%get3A_107] {strides = array<i32>} : memref<512xf32, #tpu.memory_space<vmem>>, vector<16xf32>,
      %get3A_109 = vector.shape_cast %get3A_108 : vector<16xf32> to vector<16xf32>
      %add3A_110 = arith.addf %get3A_106, %get3A_109 : vector<16xf32>
      %get3A_111 = arith.index_cast %mul3A_103 : i32 to index
      %get3A_112 = tpu.vector_load %arg21[%get3A_111] {strides = array<i32>} : memref<512xf32, #tpu.memory_space<vmem>>, vector<16xf32>,
      %get3A_113 = vector.shape_cast %get3A_112 : vector<16xf32> to vector<16xf32>
      %get3A_114 = arith.index_cast %mul3A_103 : i32 to index
      %get3A_115 = tpu.vector_load %arg22[%get3A_114] {strides = array<i32>} : memref<512xf32, #tpu.memory_space<vmem>>, vector<16xf32>,
      %get3A_116 = vector.shape_cast %get3A_115 : vector<16xf32> to vector<16xf32>
      %add3A_117 = arith.addf %get3A_113, %get3A_116 : vector<16xf32>
      %add3A_118 = arith.addf %add3A_110, %add3A_117 : vector<16xf32>
      %get3A_119 = arith.index_cast %mul3A_103 : i32 to index
      %get3A_120 = tpu.vector_load %arg23[%get3A_119] {strides = array<i32>} : memref<512xf32, #tpu.memory_space<vmem>>, vector<16xf32>,
      %get3A_121 = vector.shape_cast %get3A_120 : vector<16xf32> to vector<16xf32>
      %add3A_122 = arith.addf %add3A_118, %get3A_121 : vector<16xf32>
      %swap3A_123 = arith.index_cast %mul3A_103 : i32 to index
      %swap3A_124 = tpu.vector_load %arg24[%swap3A_123] {strides = array<i32>} : memref<512xf32, #tpu.memory_space<vmem>>, vector<16xf32>,
      %swap3A_125 = vector.shape_cast %swap3A_124 : vector<16xf32> to vector<16xf32>
      %swap3A_126 = vector.shape_cast %add3A_122 : vector<16xf32> to vector<16xf32>
      tpu.vector_store %arg24[%swap3A_123], %swap3A_126 {strides = array<i32>} : memref<512xf32, #tpu.memory_space<vmem>>, vector<16xf32>,
      %scan3A_127 = arith.constant 0 : i32
      %scan3A_128 = arith.constant 3 : i32
      %scan3A_129 = arith.addi %scan3A_46, %scan3A_128 : i32
      %mul3A_130 = arith.constant 16 : i32
      %mul3A_131 = arith.muli %scan3A_129, %mul3A_130 : i32
      %get3A_132 = arith.index_cast %mul3A_131 : i32 to index
      %get3A_133 = tpu.vector_load %arg19[%get3A_132] {strides = array<i32>} : memref<512xf32, #tpu.memory_space<vmem>>, vector<16xf32>,
      %get3A_134 = vector.shape_cast %get3A_133 : vector<16xf32> to vector<16xf32>
      %get3A_135 = arith.index_cast %mul3A_131 : i32 to index
      %get3A_136 = tpu.vector_load %arg20[%get3A_135] {strides = array<i32>} : memref<512xf32, #tpu.memory_space<vmem>>, vector<16xf32>,
      %get3A_137 = vector.shape_cast %get3A_136 : vector<16xf32> to vector<16xf32>
      %add3A_138 = arith.addf %get3A_134, %get3A_137 : vector<16xf32>
      %get3A_139 = arith.index_cast %mul3A_131 : i32 to index
      %get3A_140 = tpu.vector_load %arg21[%get3A_139] {strides = array<i32>} : memref<512xf32, #tpu.memory_space<vmem>>, vector<16xf32>,
      %get3A_141 = vector.shape_cast %get3A_140 : vector<16xf32> to vector<16xf32>
      %get3A_142 = arith.index_cast %mul3A_131 : i32 to index
      %get3A_143 = tpu.vector_load %arg22[%get3A_142] {strides = array<i32>} : memref<512xf32, #tpu.memory_space<vmem>>, vector<16xf32>,
      %get3A_144 = vector.shape_cast %get3A_143 : vector<16xf32> to vector<16xf32>
      %add3A_145 = arith.addf %get3A_141, %get3A_144 : vector<16xf32>
      %add3A_146 = arith.addf %add3A_138, %add3A_145 : vector<16xf32>
      %get3A_147 = arith.index_cast %mul3A_131 : i32 to index
      %get3A_148 = tpu.vector_load %arg23[%get3A_147] {strides = array<i32>} : memref<512xf32, #tpu.memory_space<vmem>>, vector<16xf32>,
      %get3A_149 = vector.shape_cast %get3A_148 : vector<16xf32> to vector<16xf32>
      %add3A_150 = arith.addf %add3A_146, %get3A_149 : vector<16xf32>
      %swap3A_151 = arith.index_cast %mul3A_131 : i32 to index
      %swap3A_152 = tpu.vector_load %arg24[%swap3A_151] {strides = array<i32>} : memref<512xf32, #tpu.memory_space<vmem>>, vector<16xf32>,
      %swap3A_153 = vector.shape_cast %swap3A_152 : vector<16xf32> to vector<16xf32>
      %swap3A_154 = vector.shape_cast %add3A_150 : vector<16xf32> to vector<16xf32>
      tpu.vector_store %arg24[%swap3A_151], %swap3A_154 {strides = array<i32>} : memref<512xf32, #tpu.memory_space<vmem>>, vector<16xf32>,
      %scan3A_155 = arith.constant 0 : i32
      %scan3A_156 = arith.constant 4 : i32
      %scan3A_157 = arith.addi %scan3A_46, %scan3A_156 : i32
      %mul3A_158 = arith.constant 16 : i32
      %mul3A_159 = arith.muli %scan3A_157, %mul3A_158 : i32
      %get3A_160 = arith.index_cast %mul3A_159 : i32 to index
      %get3A_161 = tpu.vector_load %arg19[%get3A_160] {strides = array<i32>} : memref<512xf32, #tpu.memory_space<vmem>>, vector<16xf32>,
      %get3A_162 = vector.shape_cast %get3A_161 : vector<16xf32> to vector<16xf32>
      %get3A_163 = arith.index_cast %mul3A_159 : i32 to index
      %get3A_164 = tpu.vector_load %arg20[%get3A_163] {strides = array<i32>} : memref<512xf32, #tpu.memory_space<vmem>>, vector<16xf32>,
      %get3A_165 = vector.shape_cast %get3A_164 : vector<16xf32> to vector<16xf32>
      %add3A_166 = arith.addf %get3A_162, %get3A_165 : vector<16xf32>
      %get3A_167 = arith.index_cast %mul3A_159 : i32 to index
      %get3A_168 = tpu.vector_load %arg21[%get3A_167] {strides = array<i32>} : memref<512xf32, #tpu.memory_space<vmem>>, vector<16xf32>,
      %get3A_169 = vector.shape_cast %get3A_168 : vector<16xf32> to vector<16xf32>
      %get3A_170 = arith.index_cast %mul3A_159 : i32 to index
      %get3A_171 = tpu.vector_load %arg22[%get3A_170] {strides = array<i32>} : memref<512xf32, #tpu.memory_space<vmem>>, vector<16xf32>,
      %get3A_172 = vector.shape_cast %get3A_171 : vector<16xf32> to vector<16xf32>
      %add3A_173 = arith.addf %get3A_169, %get3A_172 : vector<16xf32>
      %add3A_174 = arith.addf %add3A_166, %add3A_173 : vector<16xf32>
      %get3A_175 = arith.index_cast %mul3A_159 : i32 to index
      %get3A_176 = tpu.vector_load %arg23[%get3A_175] {strides = array<i32>} : memref<512xf32, #tpu.memory_space<vmem>>, vector<16xf32>,
      %get3A_177 = vector.shape_cast %get3A_176 : vector<16xf32> to vector<16xf32>
      %add3A_178 = arith.addf %add3A_174, %get3A_177 : vector<16xf32>
      %swap3A_179 = arith.index_cast %mul3A_159 : i32 to index
      %swap3A_180 = tpu.vector_load %arg24[%swap3A_179] {strides = array<i32>} : memref<512xf32, #tpu.memory_space<vmem>>, vector<16xf32>,
      %swap3A_181 = vector.shape_cast %swap3A_180 : vector<16xf32> to vector<16xf32>
      %swap3A_182 = vector.shape_cast %add3A_178 : vector<16xf32> to vector<16xf32>
      tpu.vector_store %arg24[%swap3A_179], %swap3A_182 {strides = array<i32>} : memref<512xf32, #tpu.memory_space<vmem>>, vector<16xf32>,
      %scan3A_183 = arith.constant 0 : i32
      %scan3A_184 = arith.constant 5 : i32
      %scan3A_185 = arith.addi %scan3A_46, %scan3A_184 : i32
      %mul3A_186 = arith.constant 16 : i32
      %mul3A_187 = arith.muli %scan3A_185, %mul3A_186 : i32
      %get3A_188 = arith.index_cast %mul3A_187 : i32 to index
      %get3A_189 = tpu.vector_load %arg19[%get3A_188] {strides = array<i32>} : memref<512xf32, #tpu.memory_space<vmem>>, vector<16xf32>,
      %get3A_190 = vector.shape_cast %get3A_189 : vector<16xf32> to vector<16xf32>
      %get3A_191 = arith.index_cast %mul3A_187 : i32 to index
      %get3A_192 = tpu.vector_load %arg20[%get3A_191] {strides = array<i32>} : memref<512xf32, #tpu.memory_space<vmem>>, vector<16xf32>,
      %get3A_193 = vector.shape_cast %get3A_192 : vector<16xf32> to vector<16xf32>
      %add3A_194 = arith.addf %get3A_190, %get3A_193 : vector<16xf32>
      %get3A_195 = arith.index_cast %mul3A_187 : i32 to index
      %get3A_196 = tpu.vector_load %arg21[%get3A_195] {strides = array<i32>} : memref<512xf32, #tpu.memory_space<vmem>>, vector<16xf32>,
      %get3A_197 = vector.shape_cast %get3A_196 : vector<16xf32> to vector<16xf32>
      %get3A_198 = arith.index_cast %mul3A_187 : i32 to index
      %get3A_199 = tpu.vector_load %arg22[%get3A_198] {strides = array<i32>} : memref<512xf32, #tpu.memory_space<vmem>>, vector<16xf32>,
      %get3A_200 = vector.shape_cast %get3A_199 : vector<16xf32> to vector<16xf32>
      %add3A_201 = arith.addf %get3A_197, %get3A_200 : vector<16xf32>
      %add3A_202 = arith.addf %add3A_194, %add3A_201 : vector<16xf32>
      %get3A_203 = arith.index_cast %mul3A_187 : i32 to index
      %get3A_204 = tpu.vector_load %arg23[%get3A_203] {strides = array<i32>} : memref<512xf32, #tpu.memory_space<vmem>>, vector<16xf32>,
      %get3A_205 = vector.shape_cast %get3A_204 : vector<16xf32> to vector<16xf32>
      %add3A_206 = arith.addf %add3A_202, %get3A_205 : vector<16xf32>
      %swap3A_207 = arith.index_cast %mul3A_187 : i32 to index
      %swap3A_208 = tpu.vector_load %arg24[%swap3A_207] {strides = array<i32>} : memref<512xf32, #tpu.memory_space<vmem>>, vector<16xf32>,
      %swap3A_209 = vector.shape_cast %swap3A_208 : vector<16xf32> to vector<16xf32>
      %swap3A_210 = vector.shape_cast %add3A_206 : vector<16xf32> to vector<16xf32>
      tpu.vector_store %arg24[%swap3A_207], %swap3A_210 {strides = array<i32>} : memref<512xf32, #tpu.memory_space<vmem>>, vector<16xf32>,
      %scan3A_211 = arith.constant 0 : i32
      %scan3A_212 = arith.constant 6 : i32
      %scan3A_213 = arith.addi %scan3A_46, %scan3A_212 : i32
      %mul3A_214 = arith.constant 16 : i32
      %mul3A_215 = arith.muli %scan3A_213, %mul3A_214 : i32
      %get3A_216 = arith.index_cast %mul3A_215 : i32 to index
      %get3A_217 = tpu.vector_load %arg19[%get3A_216] {strides = array<i32>} : memref<512xf32, #tpu.memory_space<vmem>>, vector<16xf32>,
      %get3A_218 = vector.shape_cast %get3A_217 : vector<16xf32> to vector<16xf32>
      %get3A_219 = arith.index_cast %mul3A_215 : i32 to index
      %get3A_220 = tpu.vector_load %arg20[%get3A_219] {strides = array<i32>} : memref<512xf32, #tpu.memory_space<vmem>>, vector<16xf32>,
      %get3A_221 = vector.shape_cast %get3A_220 : vector<16xf32> to vector<16xf32>
      %add3A_222 = arith.addf %get3A_218, %get3A_221 : vector<16xf32>
      %get3A_223 = arith.index_cast %mul3A_215 : i32 to index
      %get3A_224 = tpu.vector_load %arg21[%get3A_223] {strides = array<i32>} : memref<512xf32, #tpu.memory_space<vmem>>, vector<16xf32>,
      %get3A_225 = vector.shape_cast %get3A_224 : vector<16xf32> to vector<16xf32>
      %get3A_226 = arith.index_cast %mul3A_215 : i32 to index
      %get3A_227 = tpu.vector_load %arg22[%get3A_226] {strides = array<i32>} : memref<512xf32, #tpu.memory_space<vmem>>, vector<16xf32>,
      %get3A_228 = vector.shape_cast %get3A_227 : vector<16xf32> to vector<16xf32>
      %add3A_229 = arith.addf %get3A_225, %get3A_228 : vector<16xf32>
      %add3A_230 = arith.addf %add3A_222, %add3A_229 : vector<16xf32>
      %get3A_231 = arith.index_cast %mul3A_215 : i32 to index
      %get3A_232 = tpu.vector_load %arg23[%get3A_231] {strides = array<i32>} : memref<512xf32, #tpu.memory_space<vmem>>, vector<16xf32>,
      %get3A_233 = vector.shape_cast %get3A_232 : vector<16xf32> to vector<16xf32>
      %add3A_234 = arith.addf %add3A_230, %get3A_233 : vector<16xf32>
      %swap3A_235 = arith.index_cast %mul3A_215 : i32 to index
      %swap3A_236 = tpu.vector_load %arg24[%swap3A_235] {strides = array<i32>} : memref<512xf32, #tpu.memory_space<vmem>>, vector<16xf32>,
      %swap3A_237 = vector.shape_cast %swap3A_236 : vector<16xf32> to vector<16xf32>
      %swap3A_238 = vector.shape_cast %add3A_234 : vector<16xf32> to vector<16xf32>
      tpu.vector_store %arg24[%swap3A_235], %swap3A_238 {strides = array<i32>} : memref<512xf32, #tpu.memory_space<vmem>>, vector<16xf32>,
      %scan3A_239 = arith.constant 0 : i32
      %scan3A_240 = arith.constant 7 : i32
      %scan3A_241 = arith.addi %scan3A_46, %scan3A_240 : i32
      %mul3A_242 = arith.constant 16 : i32
      %mul3A_243 = arith.muli %scan3A_241, %mul3A_242 : i32
      %get3A_244 = arith.index_cast %mul3A_243 : i32 to index
      %get3A_245 = tpu.vector_load %arg19[%get3A_244] {strides = array<i32>} : memref<512xf32, #tpu.memory_space<vmem>>, vector<16xf32>,
      %get3A_246 = vector.shape_cast %get3A_245 : vector<16xf32> to vector<16xf32>
      %get3A_247 = arith.index_cast %mul3A_243 : i32 to index
      %get3A_248 = tpu.vector_load %arg20[%get3A_247] {strides = array<i32>} : memref<512xf32, #tpu.memory_space<vmem>>, vector<16xf32>,
      %get3A_249 = vector.shape_cast %get3A_248 : vector<16xf32> to vector<16xf32>
      %add3A_250 = arith.addf %get3A_246, %get3A_249 : vector<16xf32>
      %get3A_251 = arith.index_cast %mul3A_243 : i32 to index
      %get3A_252 = tpu.vector_load %arg21[%get3A_251] {strides = array<i32>} : memref<512xf32, #tpu.memory_space<vmem>>, vector<16xf32>,
      %get3A_253 = vector.shape_cast %get3A_252 : vector<16xf32> to vector<16xf32>
      %get3A_254 = arith.index_cast %mul3A_243 : i32 to index
      %get3A_255 = tpu.vector_load %arg22[%get3A_254] {strides = array<i32>} : memref<512xf32, #tpu.memory_space<vmem>>, vector<16xf32>,
      %get3A_256 = vector.shape_cast %get3A_255 : vector<16xf32> to vector<16xf32>
      %add3A_257 = arith.addf %get3A_253, %get3A_256 : vector<16xf32>
      %add3A_258 = arith.addf %add3A_250, %add3A_257 : vector<16xf32>
      %get3A_259 = arith.index_cast %mul3A_243 : i32 to index
      %get3A_260 = tpu.vector_load %arg23[%get3A_259] {strides = array<i32>} : memref<512xf32, #tpu.memory_space<vmem>>, vector<16xf32>,
      %get3A_261 = vector.shape_cast %get3A_260 : vector<16xf32> to vector<16xf32>
      %add3A_262 = arith.addf %add3A_258, %get3A_261 : vector<16xf32>
      %swap3A_263 = arith.index_cast %mul3A_243 : i32 to index
      %swap3A_264 = tpu.vector_load %arg24[%swap3A_263] {strides = array<i32>} : memref<512xf32, #tpu.memory_space<vmem>>, vector<16xf32>,
      %swap3A_265 = vector.shape_cast %swap3A_264 : vector<16xf32> to vector<16xf32>
      %swap3A_266 = vector.shape_cast %add3A_262 : vector<16xf32> to vector<16xf32>
      tpu.vector_store %arg24[%swap3A_263], %swap3A_266 {strides = array<i32>} : memref<512xf32, #tpu.memory_space<vmem>>, vector<16xf32>,
      %scan3A_267 = arith.constant 0 : i32
      scf.yield %scan3A_267 : i32
    }
    %scan3A_39 = arith.constant 32 : i32
    "tpu.region"() ({
      %run_scoped3A = tpu.sem_alloc : memref<!tpu.dma_semaphore, #tpu.memory_space<semaphore_mem>>
      %dma_start3A_46 = tpu.memref_slice %arg13[%mul3A_2] : memref<16384xf32, #tpu.memory_space<hbm>> -> memref<512xf32, #tpu.memory_space<hbm>>
      %dma_start3A_47 = tpu.memref_slice %arg13[%mul3A_2] : memref<16384xf32, #tpu.memory_space<hbm>> -> memref<512xf32, #tpu.memory_space<hbm>>
      tpu.enqueue_dma source(%arg24 : memref<512xf32, #tpu.memory_space<vmem>>) target(%dma_start3A_47 : memref<512xf32, #tpu.memory_space<hbm>>) target_semaphore(%run_scoped3A : memref<!tpu.dma_semaphore, #tpu.memory_space<semaphore_mem>>)
      %dma_wait3A_48 = tpu.memref_slice %arg13[%mul3A_2] : memref<16384xf32, #tpu.memory_space<hbm>> -> memref<512xf32, #tpu.memory_space<hbm>>
      %dma_wait3A_49 = tpu.memref_slice %arg13[%mul3A_2] : memref<16384xf32, #tpu.memory_space<hbm>> -> memref<512xf32, #tpu.memory_space<hbm>>
      tpu.wait_dma2 semaphore(%run_scoped3A : memref<!tpu.dma_semaphore, #tpu.memory_space<semaphore_mem>>) src(%arg24 : memref<512xf32, #tpu.memory_space<vmem>>) dst(%dma_wait3A_49 : memref<512xf32, #tpu.memory_space<hbm>>)
      tpu.yield
    }) : () -> ()
    %dma_wait3A_40 = arith.constant 0 : i32
    %dma_wait3A_41 = arith.constant 0 : i32
    %dma_wait3A_42 = tpu.memref_slice %arg4[%dma_wait3A_40, %dma_wait3A_41] : memref<100000x64xf32, #tpu.memory_space<hbm>> -> memref<100000x64xf32, #tpu.memory_space<hbm>>
    tpu.wait_indirect_dma semaphore(%arg25 : memref<!tpu.dma_semaphore, #tpu.memory_space<semaphore_mem>>) src(%dma_wait3A_42 : memref<100000x64xf32, #tpu.memory_space<hbm>>) dst(%arg17 : memref<512x64xf32, #tpu.memory_space<vmem>>)
    %dma_wait3A_43 = arith.constant 0 : i32
    %dma_wait3A_44 = arith.constant 0 : i32
    %dma_wait3A_45 = tpu.memref_slice %arg5[%dma_wait3A_43, %dma_wait3A_44] : memref<1000x64xf32, #tpu.memory_space<hbm>> -> memref<1000x64xf32, #tpu.memory_space<hbm>>
    tpu.wait_indirect_dma semaphore(%arg25 : memref<!tpu.dma_semaphore, #tpu.memory_space<semaphore_mem>>) src(%dma_wait3A_45 : memref<1000x64xf32, #tpu.memory_space<hbm>>) dst(%arg18 : memref<512x64xf32, #tpu.memory_space<vmem>>)
    "tpu.region"() ({
      %run_scoped3A = tpu.sem_alloc : memref<!tpu.dma_semaphore, #tpu.memory_space<semaphore_mem>>
      %dma_start3A_46 = arith.constant 0 : i32
      %dma_start3A_47 = tpu.memref_slice %arg11[%mul3A_2, %dma_start3A_46] : memref<16384x64xf32, #tpu.memory_space<hbm>> -> memref<512x64xf32, #tpu.memory_space<hbm>>
      %dma_start3A_48 = arith.constant 0 : i32
      %dma_start3A_49 = tpu.memref_slice %arg11[%mul3A_2, %dma_start3A_48] : memref<16384x64xf32, #tpu.memory_space<hbm>> -> memref<512x64xf32, #tpu.memory_space<hbm>>
      tpu.enqueue_dma source(%arg17 : memref<512x64xf32, #tpu.memory_space<vmem>>) target(%dma_start3A_49 : memref<512x64xf32, #tpu.memory_space<hbm>>) target_semaphore(%run_scoped3A : memref<!tpu.dma_semaphore, #tpu.memory_space<semaphore_mem>>)
      %dma_wait3A_50 = arith.constant 0 : i32
      %dma_wait3A_51 = tpu.memref_slice %arg11[%mul3A_2, %dma_wait3A_50] : memref<16384x64xf32, #tpu.memory_space<hbm>> -> memref<512x64xf32, #tpu.memory_space<hbm>>
      %dma_wait3A_52 = arith.constant 0 : i32
      %dma_wait3A_53 = tpu.memref_slice %arg11[%mul3A_2, %dma_wait3A_52] : memref<16384x64xf32, #tpu.memory_space<hbm>> -> memref<512x64xf32, #tpu.memory_space<hbm>>
      tpu.wait_dma2 semaphore(%run_scoped3A : memref<!tpu.dma_semaphore, #tpu.memory_space<semaphore_mem>>) src(%arg17 : memref<512x64xf32, #tpu.memory_space<vmem>>) dst(%dma_wait3A_53 : memref<512x64xf32, #tpu.memory_space<hbm>>)
      tpu.yield
    }) : () -> ()
    "tpu.region"() ({
      %run_scoped3A = tpu.sem_alloc : memref<!tpu.dma_semaphore, #tpu.memory_space<semaphore_mem>>
      %dma_start3A_46 = arith.constant 0 : i32
      %dma_start3A_47 = tpu.memref_slice %arg12[%mul3A_2, %dma_start3A_46] : memref<16384x64xf32, #tpu.memory_space<hbm>> -> memref<512x64xf32, #tpu.memory_space<hbm>>
      %dma_start3A_48 = arith.constant 0 : i32
      %dma_start3A_49 = tpu.memref_slice %arg12[%mul3A_2, %dma_start3A_48] : memref<16384x64xf32, #tpu.memory_space<hbm>> -> memref<512x64xf32, #tpu.memory_space<hbm>>
      tpu.enqueue_dma source(%arg18 : memref<512x64xf32, #tpu.memory_space<vmem>>) target(%dma_start3A_49 : memref<512x64xf32, #tpu.memory_space<hbm>>) target_semaphore(%run_scoped3A : memref<!tpu.dma_semaphore, #tpu.memory_space<semaphore_mem>>)
      %dma_wait3A_50 = arith.constant 0 : i32
      %dma_wait3A_51 = tpu.memref_slice %arg12[%mul3A_2, %dma_wait3A_50] : memref<16384x64xf32, #tpu.memory_space<hbm>> -> memref<512x64xf32, #tpu.memory_space<hbm>>
      %dma_wait3A_52 = arith.constant 0 : i32
      %dma_wait3A_53 = tpu.memref_slice %arg12[%mul3A_2, %dma_wait3A_52] : memref<16384x64xf32, #tpu.memory_space<hbm>> -> memref<512x64xf32, #tpu.memory_space<hbm>>
      tpu.wait_dma2 semaphore(%run_scoped3A : memref<!tpu.dma_semaphore, #tpu.memory_space<semaphore_mem>>) src(%arg18 : memref<512x64xf32, #tpu.memory_space<vmem>>) dst(%dma_wait3A_53 : memref<512x64xf32, #tpu.memory_space<hbm>>)
      tpu.yield
    }) : () -> ()
    return
  }
}

module attributes {stable_mosaic.version = 14 : i64} {
  func.func @_mlp_body(%arg0: i32, %arg1: memref<2048x64xf32, #tpu.memory_space<vmem>>, %arg2: memref<2048x64xf32, #tpu.memory_space<vmem>>, %arg3: memref<2048x1xf32, #tpu.memory_space<vmem>>, %arg4: memref<64x512xf32, #tpu.memory_space<vmem>>, %arg5: memref<64x512xf32, #tpu.memory_space<vmem>>, %arg6: memref<1x512xf32, #tpu.memory_space<vmem>>, %arg7: memref<512x256xf32, #tpu.memory_space<vmem>>, %arg8: memref<1x256xf32, #tpu.memory_space<vmem>>, %arg9: memref<256x128xf32, #tpu.memory_space<vmem>>, %arg10: memref<1x128xf32, #tpu.memory_space<vmem>>, %arg11: memref<128x1xf32, #tpu.memory_space<vmem>>, %arg12: memref<1x1xf32, #tpu.memory_space<vmem>>, %arg13: memref<2048x1xf32, #tpu.memory_space<vmem>>) attributes {dimension_semantics = [#tpu.dimension_semantics<arbitrary>], iteration_bounds = array<i64: 8>, scalar_prefetch = 0 : i64, scratch_operands = 0 : i64, tpu.core_type = #tpu.core_type<tc>, window_params = [{transform_indices = @transform_0, window_bounds = array<i64: 2048, 64>}, {transform_indices = @transform_1, window_bounds = array<i64: 2048, 64>}, {transform_indices = @transform_2, window_bounds = array<i64: 2048, 1>}, {pipeline_mode = #tpu.pipeline_mode<synchronous>, transform_indices = @transform_3, window_bounds = array<i64: 64, 512>}, {pipeline_mode = #tpu.pipeline_mode<synchronous>, transform_indices = @transform_4, window_bounds = array<i64: 64, 512>}, {pipeline_mode = #tpu.pipeline_mode<synchronous>, transform_indices = @transform_5, window_bounds = array<i64: 1, 512>}, {pipeline_mode = #tpu.pipeline_mode<synchronous>, transform_indices = @transform_6, window_bounds = array<i64: 512, 256>}, {pipeline_mode = #tpu.pipeline_mode<synchronous>, transform_indices = @transform_7, window_bounds = array<i64: 1, 256>}, {pipeline_mode = #tpu.pipeline_mode<synchronous>, transform_indices = @transform_8, window_bounds = array<i64: 256, 128>}, {pipeline_mode = #tpu.pipeline_mode<synchronous>, transform_indices = @transform_9, window_bounds = array<i64: 1, 128>}, {pipeline_mode = #tpu.pipeline_mode<synchronous>, transform_indices = @transform_10, window_bounds = array<i64: 128, 1>}, {pipeline_mode = #tpu.pipeline_mode<synchronous>, transform_indices = @transform_11, window_bounds = array<i64: 1, 1>}, {transform_indices = @transform_12, window_bounds = array<i64: 2048, 1>}]} {
    %get3A = arith.constant 0 : index
    %get3A_0 = arith.constant 0 : index
    %get3A_1 = vector.load %arg1[%get3A, %get3A_0] : memref<2048x64xf32, #tpu.memory_space<vmem>>, vector<2048x64xf32>
    %get3A_2 = arith.constant 0 : index
    %get3A_3 = arith.constant 0 : index
    %get3A_4 = vector.load %arg4[%get3A_2, %get3A_3] : memref<64x512xf32, #tpu.memory_space<vmem>>, vector<64x512xf32>
    %dot_general3A = arith.constant dense<0.000000e+00> : vector<2048x512xf32>
    %dot_general3A_5 = tpu.matmul %get3A_1, %get3A_4, %dot_general3A {dimension_numbers = #tpu.dot_dimension_numbers<[1], [0], [0], [1], [0, 0, 1, 1], [], []>, transpose_lhs_hint = false} : vector<2048x64xf32>, vector<64x512xf32>, vector<2048x512xf32> -> vector<2048x512xf32>
    %get3A_6 = arith.constant 0 : index
    %get3A_7 = arith.constant 0 : index
    %get3A_8 = vector.load %arg2[%get3A_6, %get3A_7] : memref<2048x64xf32, #tpu.memory_space<vmem>>, vector<2048x64xf32>
    %get3A_9 = arith.constant 0 : index
    %get3A_10 = arith.constant 0 : index
    %get3A_11 = vector.load %arg5[%get3A_9, %get3A_10] : memref<64x512xf32, #tpu.memory_space<vmem>>, vector<64x512xf32>
    %dot_general3A_12 = arith.constant dense<0.000000e+00> : vector<2048x512xf32>
    %dot_general3A_13 = tpu.matmul %get3A_8, %get3A_11, %dot_general3A_12 {dimension_numbers = #tpu.dot_dimension_numbers<[1], [0], [0], [1], [0, 0, 1, 1], [], []>, transpose_lhs_hint = false} : vector<2048x64xf32>, vector<64x512xf32>, vector<2048x512xf32> -> vector<2048x512xf32>
    %add3A = arith.addf %dot_general3A_5, %dot_general3A_13 : vector<2048x512xf32>
    %get3A_14 = arith.constant 0 : index
    %get3A_15 = arith.constant 0 : index
    %get3A_16 = vector.load %arg6[%get3A_14, %get3A_15] : memref<1x512xf32, #tpu.memory_space<vmem>>, vector<1x512xf32>
    %add3A_17 = vector.broadcast %get3A_16 : vector<1x512xf32> to vector<2048x512xf32>
    %add3A_18 = arith.addf %add3A, %add3A_17 : vector<2048x512xf32>
    %max3A = arith.constant 0.000000e+00 : f32
    %max3A_19 = vector.broadcast %max3A : f32 to vector<2048x512xf32>
    %max3A_20 = arith.maximumf %add3A_18, %max3A_19 : vector<2048x512xf32>
    %get3A_21 = arith.constant 0 : index
    %get3A_22 = arith.constant 0 : index
    %get3A_23 = vector.load %arg7[%get3A_21, %get3A_22] : memref<512x256xf32, #tpu.memory_space<vmem>>, vector<512x256xf32>
    %dot_general3A_24 = arith.constant dense<0.000000e+00> : vector<2048x256xf32>
    %dot_general3A_25 = tpu.matmul %max3A_20, %get3A_23, %dot_general3A_24 {dimension_numbers = #tpu.dot_dimension_numbers<[1], [0], [0], [1], [0, 0, 1, 1], [], []>, transpose_lhs_hint = false} : vector<2048x512xf32>, vector<512x256xf32>, vector<2048x256xf32> -> vector<2048x256xf32>
    %get3A_26 = arith.constant 0 : index
    %get3A_27 = arith.constant 0 : index
    %get3A_28 = vector.load %arg8[%get3A_26, %get3A_27] : memref<1x256xf32, #tpu.memory_space<vmem>>, vector<1x256xf32>
    %add3A_29 = vector.broadcast %get3A_28 : vector<1x256xf32> to vector<2048x256xf32>
    %add3A_30 = arith.addf %dot_general3A_25, %add3A_29 : vector<2048x256xf32>
    %max3A_31 = arith.constant 0.000000e+00 : f32
    %max3A_32 = vector.broadcast %max3A_31 : f32 to vector<2048x256xf32>
    %max3A_33 = arith.maximumf %add3A_30, %max3A_32 : vector<2048x256xf32>
    %get3A_34 = arith.constant 0 : index
    %get3A_35 = arith.constant 0 : index
    %get3A_36 = vector.load %arg9[%get3A_34, %get3A_35] : memref<256x128xf32, #tpu.memory_space<vmem>>, vector<256x128xf32>
    %dot_general3A_37 = arith.constant dense<0.000000e+00> : vector<2048x128xf32>
    %dot_general3A_38 = tpu.matmul %max3A_33, %get3A_36, %dot_general3A_37 {dimension_numbers = #tpu.dot_dimension_numbers<[1], [0], [0], [1], [0, 0, 1, 1], [], []>, transpose_lhs_hint = false} : vector<2048x256xf32>, vector<256x128xf32>, vector<2048x128xf32> -> vector<2048x128xf32>
    %get3A_39 = arith.constant 0 : index
    %get3A_40 = arith.constant 0 : index
    %get3A_41 = vector.load %arg10[%get3A_39, %get3A_40] : memref<1x128xf32, #tpu.memory_space<vmem>>, vector<1x128xf32>
    %add3A_42 = vector.broadcast %get3A_41 : vector<1x128xf32> to vector<2048x128xf32>
    %add3A_43 = arith.addf %dot_general3A_38, %add3A_42 : vector<2048x128xf32>
    %max3A_44 = arith.constant 0.000000e+00 : f32
    %max3A_45 = vector.broadcast %max3A_44 : f32 to vector<2048x128xf32>
    %max3A_46 = arith.maximumf %add3A_43, %max3A_45 : vector<2048x128xf32>
    %get3A_47 = arith.constant 0 : index
    %get3A_48 = arith.constant 0 : index
    %get3A_49 = vector.load %arg11[%get3A_47, %get3A_48] : memref<128x1xf32, #tpu.memory_space<vmem>>, vector<128x1xf32>
    %dot_general3A_50 = arith.constant dense<0.000000e+00> : vector<2048x1xf32>
    %dot_general3A_51 = tpu.matmul %max3A_46, %get3A_49, %dot_general3A_50 {dimension_numbers = #tpu.dot_dimension_numbers<[1], [0], [0], [1], [0, 0, 1, 1], [], []>, transpose_lhs_hint = false} : vector<2048x128xf32>, vector<128x1xf32>, vector<2048x1xf32> -> vector<2048x1xf32>
    %get3A_52 = arith.constant 0 : index
    %get3A_53 = arith.constant 0 : index
    %get3A_54 = vector.load %arg12[%get3A_52, %get3A_53] : memref<1x1xf32, #tpu.memory_space<vmem>>, vector<1x1xf32>
    %add3A_55 = vector.broadcast %get3A_54 : vector<1x1xf32> to vector<2048x1xf32>
    %add3A_56 = arith.addf %dot_general3A_51, %add3A_55 : vector<2048x1xf32>
    %get3A_57 = arith.constant 0 : index
    %get3A_58 = arith.constant 0 : index
    %get3A_59 = vector.load %arg3[%get3A_57, %get3A_58] : memref<2048x1xf32, #tpu.memory_space<vmem>>, vector<2048x1xf32>
    %add3A_60 = arith.addf %add3A_56, %get3A_59 : vector<2048x1xf32>
    %swap3A = arith.constant 0 : index
    %swap3A_61 = arith.constant 0 : index
    %swap3A_62 = vector.load %arg13[%swap3A, %swap3A_61] : memref<2048x1xf32, #tpu.memory_space<vmem>>, vector<2048x1xf32>
    tpu.vector_store %arg13[%swap3A, %swap3A_61], %add3A_60 {strides = array<i32>} : memref<2048x1xf32, #tpu.memory_space<vmem>>, vector<2048x1xf32>,
    return
  }
  func.func @transform_0(%arg0: i32) -> (i32, i32) {
    %c0_i32 = arith.constant 0 : i32
    %c0_i32_0 = arith.constant 0 : i32
    return %arg0, %c0_i32 : i32, i32
  }
  func.func @transform_1(%arg0: i32) -> (i32, i32) {
    %c0_i32 = arith.constant 0 : i32
    %c0_i32_0 = arith.constant 0 : i32
    return %arg0, %c0_i32 : i32, i32
  }
  func.func @transform_2(%arg0: i32) -> (i32, i32) {
    %c0_i32 = arith.constant 0 : i32
    %c0_i32_0 = arith.constant 0 : i32
    return %arg0, %c0_i32 : i32, i32
  }
  func.func @transform_3(%arg0: i32) -> (i32, i32) {
    %c0_i32 = arith.constant 0 : i32
    %c0_i32_0 = arith.constant 0 : i32
    %c0_i32_1 = arith.constant 0 : i32
    return %c0_i32, %c0_i32_0 : i32, i32
  }
  func.func @transform_4(%arg0: i32) -> (i32, i32) {
    %c0_i32 = arith.constant 0 : i32
    %c0_i32_0 = arith.constant 0 : i32
    %c0_i32_1 = arith.constant 0 : i32
    return %c0_i32, %c0_i32_0 : i32, i32
  }
  func.func @transform_5(%arg0: i32) -> (i32, i32) {
    %c0_i32 = arith.constant 0 : i32
    %c0_i32_0 = arith.constant 0 : i32
    %c0_i32_1 = arith.constant 0 : i32
    return %c0_i32, %c0_i32_0 : i32, i32
  }
  func.func @transform_6(%arg0: i32) -> (i32, i32) {
    %c0_i32 = arith.constant 0 : i32
    %c0_i32_0 = arith.constant 0 : i32
    %c0_i32_1 = arith.constant 0 : i32
    return %c0_i32, %c0_i32_0 : i32, i32
  }
  func.func @transform_7(%arg0: i32) -> (i32, i32) {
    %c0_i32 = arith.constant 0 : i32
    %c0_i32_0 = arith.constant 0 : i32
    %c0_i32_1 = arith.constant 0 : i32
    return %c0_i32, %c0_i32_0 : i32, i32
  }
  func.func @transform_8(%arg0: i32) -> (i32, i32) {
    %c0_i32 = arith.constant 0 : i32
    %c0_i32_0 = arith.constant 0 : i32
    %c0_i32_1 = arith.constant 0 : i32
    return %c0_i32, %c0_i32_0 : i32, i32
  }
  func.func @transform_9(%arg0: i32) -> (i32, i32) {
    %c0_i32 = arith.constant 0 : i32
    %c0_i32_0 = arith.constant 0 : i32
    %c0_i32_1 = arith.constant 0 : i32
    return %c0_i32, %c0_i32_0 : i32, i32
  }
  func.func @transform_10(%arg0: i32) -> (i32, i32) {
    %c0_i32 = arith.constant 0 : i32
    %c0_i32_0 = arith.constant 0 : i32
    %c0_i32_1 = arith.constant 0 : i32
    return %c0_i32, %c0_i32_0 : i32, i32
  }
  func.func @transform_11(%arg0: i32) -> (i32, i32) {
    %c0_i32 = arith.constant 0 : i32
    %c0_i32_0 = arith.constant 0 : i32
    %c0_i32_1 = arith.constant 0 : i32
    return %c0_i32, %c0_i32_0 : i32, i32
  }
  func.func @transform_12(%arg0: i32) -> (i32, i32) {
    %c0_i32 = arith.constant 0 : i32
    %c0_i32_0 = arith.constant 0 : i32
    return %arg0, %c0_i32 : i32, i32
  }
}

</mosaic_0001>

<sc_bundles>
// kernel: kernel.4.cloned.1.call-start
scs
__scs_entry_jumppad:
0x0: {  	(pc) =	sbr.rel $0x88, $3  }
0x1: {  	(tag) =	ssettag $0x0;
	lr =	simm.s32 $0x1  }
0x2: {  	[smem:$0x3F8F] =	sst lr;
	_ =	strace $0xD0000000  }
0x3: {  	_ = 	snop  }
0x4: {  	_ = 	snop  }
0x5: {  	_ = 	snop  }
0x6: {  	_ = 	snop  }
0x7: {  	_ = 	snop  }
__scs_overlays_trampoline_lowered:
0x8: {  	[smem:$0x3F9E] =	sst s0  }
0x9: {  	[smem:$0x3F9F] =	sst s1  }
0xa: {  	[smem:$0x3FA0] =	sst s2  }
0xb: {  	[smem:$0x3FA1] =	sst s3  }
0xc: {  	[smem:$0x3FA2] =	sst s4  }
0xd: {  	[smem:$0x3FA3] =	sst s5  }
0xe: {  	[smem:$0x3FA4] =	sst s6  }
0xf: {  	[smem:$0x3FA5] =	sst s7  }
0x10: {  	[smem:$0x3FA6] =	sst s8  }
0x11: {  	[smem:$0x3FA7] =	sst s9;
	s0 =	simm.s32 @!p0 $0x0  }
0x12: {  	s1 =	sld [smem:$0x3F8D];
	s0 =	simm.s32 @p0 $0x1  }
0x13: {  	[smem:$0x3FA8] =	sst s0;
	s0 =	simm.s32 @!p1 $0x0  }
0x14: {  	s2 =	sld [smem:$0x3F8C];
	s0 =	simm.s32 @p1 $0x1  }
0x15: {  	[smem:$0x3FA9] =	sst s0;
	s0 =	simm.s32 @!p2 $0x0  }
0x16: {  	s3 =	sld [smem:$0x3FDB];
	s0 =	simm.s32 @p2 $0x1  }
0x17: {  	s4 =	simm.s32 $0x1BF5;
	[smem:$0x3FAB] =	sst s0  }
0x18: {  	s0 =	sld [smem:$0x3F8E];
	_ =	swait.ge [sflag:s4], $0x0  }
0x19: {  	s7 =	sld [smem:$0x3F8F]  }
0x1a: {  	s8 =	sadd.s32 $0xFFFFE003, lr  }
0x1b: {  	s9 =	sadd.s32 $0xFFFFFEF7, lr;
	s5 =	simm.s32 $0xFFFFFFFF;
	p2 =	slt.u32 s8, $0xFFFFF086  }
0x1c: {  	p1 =	slt.u32 s9, $0xF7A;
	s5 =	simm.s32 @!p2 $0x0  }
0x1d: {  	s5 =	simm.s32 @p1 $0x1;
	p0 =	seq.s32 s7, s2  }
0x1e: {  	s7 =	smul.u32 @!p0 $0xF7A, s2;
	p2 =	seq.s32 @!p0 s5, $0x0  }
0x1f: {  	s9 =	smul.u32 $0xF7A, s1;
	s8 =	simm.s32 @!p0 $0x1BF5;
	p2 =	por !p2, p0  }
0x20: {  	[sflag:s8] =	ssyncset.s32 @!p0 $0xFFFFF086;
	s6 =	sadd.s32 @!p0 s3, s7;
	s7 =	simm.s32 @!p0 $0x108  }
0x21: {  	s3 =	sadd.s32 s3, s9;
	s6 =	sadd.s32 @!p0 $0x88, s6;
	s7 =	simm.s32 @p2 $0x1082  }
0x22: {  	[simem:s7], [sflag:s8] =	dma.local @!p0 [hbm:s6], $0xF7A  }
0x23: {  	s9 =	sor.u32 $0xD0000000, s2;
	s6 =	simm.s32 $0x108;
	_ =	swait.ge @!p0 [sflag:s8], $0x0  }
0x24: {  	s3 =	sadd.s32 $0x88, s3;
	s6 =	simm.s32 @!p1 $0x1082;
	[sflag:s4] =	ssyncset.s32 $0xFFFFF086  }
0x25: {  	[simem:s6], [sflag:s4] =	dma.local [hbm:s3], $0xF7A  }
0x26: {  	[smem:$0x3F8F] =	sst s1;
	(tag) =	ssettag s2;
	_ =	strace s9  }
0x27: {  	s1 =	sld [smem:$0x3F9F]  }
0x28: {  	s2 =	sld [smem:$0x3FA0]  }
0x29: {  	s4 =	sld [smem:$0x3FA2]  }
0x2a: {  	p0 =	seq.s32 s5, $0x0;
	s5 =	sld [smem:$0x3FA3]  }
0x2b: {  	s6 =	sld [smem:$0x3FA4]  }
0x2c: {  	s7 =	sld [smem:$0x3FA5]  }
0x2d: {  	s3 =	simm.s32 $0x108;
	s8 =	sld [smem:$0x3FA6]  }
0x2e: {  	s3 =	simm.s32 @!p0 $0x1082;
	s9 =	sld [smem:$0x3FA7]  }
0x2f: {  	lr =	sadd.s32 s0, s3;
	s0 =	sld [smem:$0x3F9E]  }
0x30: {  	s3 =	sld [smem:$0x3FA1]  }
0x31: {  	[smem:$0x3FAA] =	sst s10  }
0x32: {  	s10 =	sld [smem:$0x3FA8];
	_ =	sdelay $0x3  }
0x33: {  	p0 =	seq.s32 s10, $0x1;
	s10 =	sld [smem:$0x3FAA];
	_ =	sdelay $0x3  }
0x34: {  	[smem:$0x3FAA] =	sst s10  }
0x35: {  	s10 =	sld [smem:$0x3FA9];
	_ =	sdelay $0x3  }
0x36: {  	p1 =	seq.s32 s10, $0x1;
	s10 =	sld [smem:$0x3FAA];
	_ =	sdelay $0x3  }
0x37: {  	[smem:$0x3FAA] =	sst s10  }
0x38: {  	s10 =	sld [smem:$0x3FAB]  }
0x39: {  	_ = 	snop;
	(pc) =	sbr.ind lr, $3  }
0x3a: {  	_ = 	snop  }
0x3b: {  	_ = 	snop  }
0x3c: {  	p2 =	seq.s32 s10, $0x1;
	s10 =	sld [smem:$0x3FAA]  }
0x3d: {  	_ =	shalt  }
0x3e: {  	_ =	shalt  }
0x3f: {  	_ =	shalt  }
0x40: {  	_ =	shalt  }
0x41: {  	_ =	shalt  }
0x42: {  	_ =	shalt  }
0x43: {  	_ =	shalt  }
0x44: {  	_ =	shalt  }
0x45: {  	_ =	shalt  }
0x46: {  	_ =	shalt  }
0x47: {  	_ =	shalt  }
0x48: {  	_ =	shalt  }
0x49: {  	_ =	shalt  }
0x4a: {  	_ =	shalt  }
0x4b: {  	_ =	shalt  }
0x4c: {  	_ =	shalt  }
0x4d: {  	_ =	shalt  }
0x4e: {  	_ =	shalt  }
0x4f: {  	_ =	shalt  }
0x50: {  	_ =	shalt  }
0x51: {  	_ =	shalt  }
0x52: {  	_ =	shalt  }
0x53: {  	_ =	shalt  }
0x54: {  	_ =	shalt  }
0x55: {  	_ =	shalt  }
0x56: {  	_ =	shalt  }
0x57: {  	_ =	shalt  }
0x58: {  	_ =	shalt  }
0x59: {  	_ =	shalt  }
0x5a: {  	_ =	shalt  }
0x5b: {  	_ =	shalt  }
0x5c: {  	_ =	shalt  }
0x5d: {  	_ =	shalt  }
0x5e: {  	_ =	shalt  }
0x5f: {  	_ =	shalt  }
0x60: {  	_ =	shalt  }
0x61: {  	_ =	shalt  }
0x62: {  	_ =	shalt  }
0x63: {  	_ =	shalt  }
0x64: {  	_ =	shalt  }
0x65: {  	_ =	shalt  }
0x66: {  	_ =	shalt  }
0x67: {  	_ =	shalt  }
0x68: {  	_ =	shalt  }
0x69: {  	_ =	shalt  }
0x6a: {  	_ =	shalt  }
0x6b: {  	_ =	shalt  }
0x6c: {  	_ =	shalt  }
0x6d: {  	_ =	shalt  }
0x6e: {  	_ =	shalt  }
0x6f: {  	_ =	shalt  }
0x70: {  	_ =	shalt  }
0x71: {  	_ =	shalt  }
0x72: {  	_ =	shalt  }
0x73: {  	_ =	shalt  }
0x74: {  	_ =	shalt  }
0x75: {  	_ =	shalt  }
0x76: {  	_ =	shalt  }
0x77: {  	_ =	shalt  }
0x78: {  	_ =	shalt  }
0x79: {  	_ =	shalt  }
0x7a: {  	_ =	shalt  }
0x7b: {  	_ =	shalt  }
0x7c: {  	_ =	shalt  }
0x7d: {  	_ =	shalt  }
0x7e: {  	_ =	shalt  }
0x7f: {  	_ =	shalt  }
0x80: {  	_ =	shalt  }
0x81: {  	_ =	shalt  }
0x82: {  	_ =	shalt  }
0x83: {  	_ =	shalt  }
0x84: {  	_ =	shalt  }
0x85: {  	_ =	shalt  }
0x86: {  	_ =	shalt  }
0x87: {  	_ =	shalt  }
.Lfunc_end0:
.L_simem_size_0:
called_computation_lowered:
.L_overlay_start_0:
0x88: {  	s2 =	sld [smem:$0x3FD9]  }
0x89: {  	s3 =	sld [smem:$0x3FFE];
	_ =	sdelay $0x1  }
0x8a: {  	s1 =	srdreg.scid  }
0x8b: {  	s0 =	sand.u32 $0x1, s1  }
0x8c: {  	s17 =	sshll.u32 s0, $0xA;
	s2 =	sadd.s32 s3, s2  }
0x8d: {  	s2 =	sadd.s32 s2, s17  }
0x8e: {  	[smem:$0x3FB6] =	sst s2  }
0x8f: {  	_ = 	snop  }
0x90: {  	s2 =	sld [smem:$0x3FC9]  }
0x91: {  	s18 =	sld [smem:$0x3FC8]  }
0x92: {  	s4 =	sld [smem:$0x3FC4]  }
0x93: {  	s5 =	sld [smem:$0x3FC1]  }
0x94: {  	s6 =	sld [smem:$0x3FD0];
	(tm) =	ssettm $0x1  }
0x95: {  	s7 =	sld [smem:$0x3FFB];
	_ =	sdelay $0x3  }
0x96: {  	_ =	strace s7  }
0x97: {  	s7 =	sld [smem:$0x3FFC];
	_ =	sdelay $0x3  }
0x98: {  	_ =	strace s7  }
0x99: {  	s7 =	sld [smem:$0x3FFD];
	_ =	sdelay $0x3  }
0x9a: {  	_ =	strace s7  }
0x9b: {  	_ =	strace $0x8FFFFFFF  }
0x9c: {  	s19 =	sld [smem:$0x3FDB];
	_ =	sdelay $0x1  }
0x9d: {  	s8 =	simm.s32 $_scs_section_size  }
0x9e: {  	s9 =	simm.s32 $_size__tile_overlayer_lowered;
	s10 =	simm.s32 $_tile_overlayer_lowered  }
0x9f: {  	s22 =	simm.s32 $0x1BFF;
	s21 =	sshll.u32 s10, $0x1;
	s7 =	sadd.s32 s8, s19  }
0xa0: {  	s11 =	simm.s32 $0x0;
	s20 =	sshll.u32 s9, $0x1;
	s9 =	sadd.s32 s21, s7  }
0xa1: {  	[timem:s11], [sflag:s22] =	dma.local [hbm:s9], s20  }
0xa2: {  	_ =	swait.ge [sflag:s22], s20  }
0xa3: {  	s8 =	ssub.s32 $0x0, s20;
	[sflag:s22] =	ssyncset.done $0x0  }
0xa4: {  	[sflag:s22] =	ssyncadd.s32 s8;
	_ =	sdelay $0x1  }
0xa5: {  	s23 =	simm.s32 $0x1B8B  }
0xa6: {  	_ =	swait.ge [sflag:s23], $0x1  }
0xa7: {  	[sflag:s23] =	ssyncset.done $0x0  }
0xa8: {  	s25 =	simm.s32 $0x1B8E;
	s24 =	sld [smem:$0x3FFE];
	[sflag:s23] =	ssyncadd.s32 $0xFFFFFFFF  }
0xa9: {  	s26 =	simm.s32 $execute0_lowered;
	[smem:$0x3FD2] =	sst s25  }
0xaa: {  	s9 =	sshll.u32 s26, $0x1;
	_ =	strace $0x80000046;
	[dreg:$0x1] =	wrdreg $0xFFFFFFFF  }
0xab: {  	s28 =	simm.s32 $_size_execute0_lowered;
	s7 =	sadd.s32 s7, s9;
	[dreg:$0x0] =	wrdreg $0x0  }
0xac: {  	s9 =	sshll.u32 s28, $0x1;
	[dreg:$0x2] =	wrdreg s7  }
0xad: {  	[dreg:$0x3] =	wrdreg s9  }
0xae: {  	[dreg:$0x4] =	wrdreg $0xC0  }
0xaf: {  	_ =	task [dreg:s11], $0x5FFFF  }
0xb0: {  	[dreg:$0x1] =	wrdreg $0xFFFFFFFF  }
0xb1: {  	[dreg:$0x0] =	wrdreg $0x60  }
0xb2: {  	[dreg:$0x2] =	wrdreg s2  }
0xb3: {  	[dreg:$0x3] =	wrdreg s18  }
0xb4: {  	[dreg:$0x4] =	wrdreg s24  }
0xb5: {  	[dreg:$0x5] =	wrdreg s4  }
0xb6: {  	[dreg:$0x6] =	wrdreg s5  }
0xb7: {  	[dreg:$0x7] =	wrdreg s6  }
0xb8: {  	[dreg:$0x8] =	wrdreg $0x9  }
0xb9: {  	_ =	task.clear_ibuf [dreg:s11], $0x9FFFF;
	_ =	strace $0x90000046  }
0xba: {  	s29 =	simm.s32 $0x9;
	_ =	strace $0x80000048  }
0xbb: {  	_ =	swait.ge [sflag:s29], $0x1  }
0xbc: {  	[sflag:s29] =	ssyncadd.s32 $0xFFFFFFFF  }
0xbd: {  	_ =	strace $0x90000048  }
0xbe: {  	_ =	sfence  }
0xbf: {  	s30 =	sld [smem:$0x0];
	_ =	sdelay $0x2  }
0xc0: {  	s31 =	sshll.u32 s1, $0xD;
	s1 =	sshrl.u32 s1, $0x2  }
0xc1: {  	s3 =	sand.u32 $0x4000, s31;
	s1 =	sadd.s32 s1, s30  }
0xc2: {  	s0 =	sor.u32 s3, s0;
	s1 =	sshll.u32 s1, $0x11  }
0xc3: {  	s0 =	sor.u32 s1, s0  }
0xc4: {  	s0 =	sadd.s32 $0x8F2B, s0  }
0xc5: {  	[sflag:s0] =	ssyncadd.remote.s32 $0x1  }
0xc6: {  	_ =	sfence.sel $0xFFFF  }
0xc7: {  	[dreg:$0x0] =	wrdreg $0xFFFFFFFF;
	(pc) =	sbr.abs _section_cstart, $3  }
0xc8: {  	[dreg:$0x1] =	wrdreg $0xFFFFFFFF  }
0xc9: {  	_ =	task.clear_ibuf [dreg:s11], $0x2FFFF;
	_ =	strace $0x9FFFFFFF  }
0xca: {  	(tm) =	ssettm $0x7FFFFFFF  }
0xcb: {  	_ =	shalt  }
tec
execute0_lowered:
.L_overlay_start_1:
0x0: {  	(tag) =	ssettag $0x1  }
0x1: {  	s0 =	rddreg [dreg:$0x0]  }
0x2: {  	s1 =	rddreg [dreg:$0x1]  }
0x3: {  	s2 =	rddreg [dreg:$0x2]  }
0x4: {  	s4 =	rddreg [dreg:$0x5];
	s3 =	simm.s32 $0x0  }
0x5: {  	s5 =	srdreg.scid;
	s7 =	stileid.u32;
	s16 =	simm.s32 $0x3  }
0x6: {  	s17 =	simm.s32 $0x200;
	s18 =	simm.s32 $0x600;
	s19 =	simm.s32 $0x8600  }
0x7: {  	s26 =	simm.s32 $0x2;
	s29 =	simm.s32 $0x1;
	s30 =	simm.s32 $0x0  }
0x8: {  	[smem:$0x7FF] =	sst s3;
	s6 =	sadd.s32 $0x188200, s2;
	s5 =	sand.u32 $0x1, s5  }
0x9: {  	s9 =	sshll.u32 s7, $0xA;
	s7 =	sadd.s32 $0x3800, s2;
	s8 =	sadd.s32 $0x6A00, s2  }
0xa: {  	_ =	strace $0x80000047;
	[dreg:$0x7] =	wrdreg s6;
	s10 =	sshll.u32 s5, $0x9  }
0xb: {  	s6 =	sadd.s32 $0x1800, s2;
	s5 =	ssub.s32 $0x2, s5;
	s10 =	sor.u32 s10, s9  }
0xc: {  	s9 =	sadd.s32 $0x24B800, s2;
	s31 =	sshrl.u32 s5, $0x1;
	s11 =	sshll.u32 s10, $0x3  }
0xd: {  	s12 =	sshrl.u32 s10, $0x3;
	s5 =	ssub.s32 s5, s31;
	s2 =	sadd.s32 s11, s2  }
0xe: {  	s10 =	sadd.s32 s0, s12;
	s11 =	sadd.s32 s1, s12;
	s12 =	sadd.s32 s4, s12  }
0xf: {  	s15 =	smax.u32 s5, $0x1;
	s13 =	sadd.s32 $0x9C00, s2;
	s14 =	sadd.s32 $0x29C00, s2  }
.LBB2_1:
0x10: {  	[tilespmem:s3], [sflag:$0x3] =	stream.linear.gather [hbm4b:s10+s3], $0x200, $0x38;
	[tilespmem:$0x11200] =	vst v63  }
0x11: {  	_ =	swait.ge [sflag:s16], $0x200  }
0x12: {  	[sflag:s16] =	ssyncset.done $0x0  }
0x13: {  	[sflag:s16] =	ssyncadd.s32 $0xFFFFFE00  }
0x14: {  	[tilespmem:s17], [sflag:$0x3] =	stream.linear.gather [hbm4b:s11+s3], $0x200, $0x38;
	[tilespmem:$0x11200] =	vst v63  }
0x15: {  	_ =	swait.ge [sflag:s16], $0x200  }
0x16: {  	[sflag:s16] =	ssyncset.done $0x0  }
0x17: {  	s0 =	rddreg [dreg:$0x7];
	[sflag:s16] =	ssyncadd.s32 $0xFFFFFE00  }
0x18: {  	[tilespmem:s18], [sflag:$0x1] =	stream.indirect.gather [hbm4b:s0+s17], $0x40, s3, s17, $0xb8;
	[tilespmem:$0x11200] =	vst v63  }
0x19: {  	_ = 	snop  }
0x1a: {  	[tilespmem:s19], [sflag:$0x1] =	stream.indirect.gather [hbm4b:s6+s17], $0x40, s17, s17, $0xb8;
	[tilespmem:$0x11200] =	vst v63  }
0x1b: {  	v0 =	vld [tilespmem:$0x0]  }
0x1c: {  	v1 =	vld [tilespmem:$0x200]  }
0x1d: {  	v2 =	vld [tilespmem:$0x10]  }
0x1e: {  	v3 =	vld [tilespmem:$0x210]  }
0x1f: {  	v4 =	vld [tilespmem:$0x20]  }
0x20: {  	v5 =	vld [tilespmem:$0x220]  }
0x21: {  	v6 =	vld [tilespmem:$0x30]  }
0x22: {  	v7 =	vld [tilespmem:$0x230]  }
0x23: {  	v8 =	vld [tilespmem:$0x40]  }
0x24: {  	v9 =	vld [tilespmem:$0x240]  }
0x25: {  	v10 =	vld [tilespmem:$0x50]  }
0x26: {  	v11 =	vld [tilespmem:$0x250]  }
0x27: {  	v12 =	vld [tilespmem:$0x60]  }
0x28: {  	v13 =	vld [tilespmem:$0x260]  }
0x29: {  	v14 =	vld [tilespmem:$0x70]  }
0x2a: {  	v15 =	vld [tilespmem:$0x270]  }
0x2b: {  	v16 =	vld [tilespmem:$0x80]  }
0x2c: {  	v17 =	vld [tilespmem:$0x280]  }
0x2d: {  	v18 =	vld [tilespmem:$0x90]  }
0x2e: {  	v19 =	vld [tilespmem:$0x290]  }
0x2f: {  	v20 =	vld [tilespmem:$0xA0]  }
0x30: {  	v21 =	vld [tilespmem:$0x2A0]  }
0x31: {  	v22 =	vld [tilespmem:$0xB0]  }
0x32: {  	v23 =	vld [tilespmem:$0x2B0]  }
0x33: {  	v24 =	vld [tilespmem:$0xC0]  }
0x34: {  	v25 =	vld [tilespmem:$0x2C0]  }
0x35: {  	v26 =	vld [tilespmem:$0xD0]  }
0x36: {  	v27 =	vld [tilespmem:$0x2D0]  }
0x37: {  	v28 =	vld [tilespmem:$0xE0]  }
0x38: {  	v29 =	vld [tilespmem:$0x2E0]  }
0x39: {  	v30 =	vld [tilespmem:$0xF0]  }
0x3a: {  	v31 =	vld [tilespmem:$0x2F0]  }
0x3b: {  	v32 =	vld [tilespmem:$0x100]  }
0x3c: {  	v33 =	vld [tilespmem:$0x300]  }
0x3d: {  	v34 =	vld [tilespmem:$0x110]  }
0x3e: {  	v35 =	vld [tilespmem:$0x310];
	v0 =	vmul.u32 $0x3E8, v0  }
0x3f: {  	v36 =	vld [tilespmem:$0x120];
	v2 =	vmul.u32 $0x3E8, v2  }
0x40: {  	v45 =	vld [tilespmem:$0x140];
	v0 =	vadd.s32 v1, v0;
	v1 =	vmul.u32 $0x3E8, v4  }
0x41: {  	v46 =	vld [tilespmem:$0x340];
	[tilespmem:$0x400] =	vst v0;
	v0 =	vadd.s32 v3, v2;
	v2 =	vmul.u32 $0x3E8, v6  }
0x42: {  	v47 =	vld [tilespmem:$0x150];
	[tilespmem:$0x410] =	vst v0;
	v0 =	vadd.s32 v5, v1;
	v1 =	vmul.u32 $0x3E8, v8  }
0x43: {  	v48 =	vld [tilespmem:$0x350];
	[tilespmem:$0x420] =	vst v0;
	v0 =	vadd.s32 v7, v2;
	v2 =	vmul.u32 $0x3E8, v10  }
0x44: {  	v49 =	vld [tilespmem:$0x160];
	[tilespmem:$0x430] =	vst v0;
	v0 =	vadd.s32 v9, v1;
	v1 =	vmul.u32 $0x3E8, v12  }
0x45: {  	v50 =	vld [tilespmem:$0x360];
	[tilespmem:$0x440] =	vst v0;
	v0 =	vadd.s32 v11, v2;
	v2 =	vmul.u32 $0x3E8, v14  }
0x46: {  	v51 =	vld [tilespmem:$0x170];
	[tilespmem:$0x450] =	vst v0;
	v0 =	vadd.s32 v13, v1;
	v1 =	vmul.u32 $0x3E8, v16  }
0x47: {  	v52 =	vld [tilespmem:$0x370];
	[tilespmem:$0x460] =	vst v0;
	v0 =	vadd.s32 v15, v2;
	v2 =	vmul.u32 $0x3E8, v18  }
0x48: {  	v53 =	vld [tilespmem:$0x180];
	[tilespmem:$0x470] =	vst v0;
	v0 =	vadd.s32 v17, v1;
	v1 =	vmul.u32 $0x3E8, v20  }
0x49: {  	v54 =	vld [tilespmem:$0x380];
	[tilespmem:$0x480] =	vst v0;
	v0 =	vadd.s32 v19, v2;
	v2 =	vmul.u32 $0x3E8, v22  }
0x4a: {  	v55 =	vld [tilespmem:$0x190];
	[tilespmem:$0x490] =	vst v0;
	v0 =	vadd.s32 v21, v1;
	v1 =	vmul.u32 $0x3E8, v24  }
0x4b: {  	v56 =	vld [tilespmem:$0x390];
	[tilespmem:$0x4A0] =	vst v0;
	v0 =	vadd.s32 v23, v2;
	v2 =	vmul.u32 $0x3E8, v26  }
0x4c: {  	v3 =	vld [tilespmem:$0x130];
	[tilespmem:$0x4B0] =	vst v0;
	v0 =	vadd.s32 v25, v1;
	v1 =	vmul.u32 $0x3E8, v28  }
0x4d: {  	v4 =	vld [tilespmem:$0x320];
	[tilespmem:$0x4C0] =	vst v0;
	v0 =	vadd.s32 v27, v2;
	v2 =	vmul.u32 $0x3E8, v30  }
0x4e: {  	v5 =	vld [tilespmem:$0x330];
	[tilespmem:$0x4D0] =	vst v0;
	v0 =	vadd.s32 v29, v1;
	v1 =	vmul.u32 $0x3E8, v32  }
0x4f: {  	v57 =	vld [tilespmem:$0x1A0];
	[tilespmem:$0x4E0] =	vst v0;
	v0 =	vadd.s32 v31, v2;
	v2 =	vmul.u32 $0x3E8, v34  }
0x50: {  	v58 =	vld [tilespmem:$0x3A0];
	[tilespmem:$0x4F0] =	vst v0;
	v0 =	vadd.s32 v33, v1;
	v1 =	vmul.u32 $0x3E8, v36  }
0x51: {  	v59 =	vld [tilespmem:$0x3C0];
	[tilespmem:$0x500] =	vst v0;
	v0 =	vadd.s32 v35, v2;
	v2 =	vmul.u32 $0x3E8, v3  }
0x52: {  	v60 =	vld [tilespmem:$0x1D0];
	[tilespmem:$0x510] =	vst v0;
	v0 =	vadd.s32 v4, v1;
	v1 =	vmul.u32 $0x3E8, v45  }
0x53: {  	v61 =	vld [tilespmem:$0x3D0];
	[tilespmem:$0x520] =	vst v0;
	v0 =	vadd.s32 v5, v2;
	v2 =	vmul.u32 $0x3E8, v47  }
0x54: {  	v3 =	vld [tilespmem:$0x1B0];
	[tilespmem:$0x530] =	vst v0;
	v0 =	vadd.s32 v46, v1;
	v1 =	vmul.u32 $0x3E8, v49  }
0x55: {  	v5 =	vld [tilespmem:$0x1C0];
	[tilespmem:$0x540] =	vst v0;
	v0 =	vadd.s32 v48, v2;
	v2 =	vmul.u32 $0x3E8, v51  }
0x56: {  	v4 =	vld [tilespmem:$0x3B0];
	[tilespmem:$0x550] =	vst v0;
	v0 =	vadd.s32 v50, v1;
	v1 =	vmul.u32 $0x3E8, v53  }
0x57: {  	v62 =	vld [tilespmem:$0x1E0];
	[tilespmem:$0x560] =	vst v0;
	v0 =	vadd.s32 v52, v2;
	v2 =	vmul.u32 $0x3E8, v55  }
0x58: {  	v63 =	vld [tilespmem:$0x1F0];
	[tilespmem:$0x570] =	vst v0;
	v0 =	vadd.s32 v54, v1;
	v1 =	vmul.u32 $0x3E8, v57  }
0x59: {  	[tilespmem:$0x580] =	vst v0;
	v0 =	vadd.s32 v56, v2;
	v2 =	vmul.u32 $0x3E8, v3;
	v3 =	vld [tilespmem:$0x3E0]  }
0x5a: {  	[tilespmem:$0x590] =	vst v0;
	v0 =	vadd.s32 v58, v1;
	v1 =	vmul.u32 $0x3E8, v5;
	v5 =	vld [tilespmem:$0x3F0]  }
0x5b: {  	[tilespmem:$0x5A0] =	vst v0;
	v0 =	vadd.s32 v4, v2;
	v2 =	vmul.u32 $0x3E8, v60  }
0x5c: {  	[tilespmem:$0x5B0] =	vst v0;
	v0 =	vadd.s32 v59, v1;
	v1 =	vmul.u32 $0x3E8, v62  }
0x5d: {  	[tilespmem:$0x5C0] =	vst v0;
	v0 =	vadd.s32 v61, v2;
	v2 =	vmul.u32 $0x3E8, v63  }
0x5e: {  	[tilespmem:$0x5D0] =	vst v0;
	v0 =	vadd.s32 v3, v1  }
0x5f: {  	[tilespmem:$0x5E0] =	vst v0;
	v0 =	vadd.s32 v5, v2  }
0x60: {  	s5 =	simm.s32 $0x10600;
	[tilespmem:$0x5F0] =	vst v0  }
0x61: {  	[tilespmem:s5], [sflag:$0x2] =	stream.indirect.gather [hbm4b:s7+s17], $0x1, s3, s17, $0xb8;
	[tilespmem:$0x11200] =	vst v63  }
0x62: {  	s20 =	simm.s32 $0x10800  }
0x63: {  	[tilespmem:s20], [sflag:$0x2] =	stream.indirect.gather [hbm4b:s8+s17], $0x1, s3, s17, $0xb8;
	[tilespmem:$0x11200] =	vst v63  }
0x64: {  	s1 =	simm.s32 $0x10A00;
	s21 =	rddreg [dreg:$0x3]  }
0x65: {  	[tilespmem:s1], [sflag:$0x2] =	stream.indirect.gather [hbm4b:s21+s17], $0x1, s17, s17, $0xb8;
	[tilespmem:$0x11200] =	vst v63  }
0x66: {  	s23 =	simm.s32 $0x10C00;
	s22 =	rddreg [dreg:$0x4]  }
0x67: {  	[tilespmem:s23], [sflag:$0x2] =	stream.indirect.gather [hbm4b:s22+s17], $0x1, s17, s17, $0xb8;
	[tilespmem:$0x11200] =	vst v63  }
0x68: {  	s24 =	simm.s32 $0x400;
	s25 =	simm.s32 $0x10E00  }
0x69: {  	[tilespmem:s25], [sflag:$0x2] =	stream.indirect.gather [hbm4b:s9+s17], $0x1, s24, s17, $0xb8;
	[tilespmem:$0x11200] =	vst v63  }
0x6a: {  	_ =	swait.ge [sflag:s26], $0x200  }
0x6b: {  	[sflag:s26] =	ssyncset.done $0x0  }
0x6c: {  	[sflag:s26] =	ssyncadd.s32 $0xFFFFFE00  }
0x6d: {  	_ =	swait.ge [sflag:s26], $0x200  }
0x6e: {  	[sflag:s26] =	ssyncset.done $0x0  }
0x6f: {  	[sflag:s26] =	ssyncadd.s32 $0xFFFFFE00  }
0x70: {  	_ =	swait.ge [sflag:s26], $0x200  }
0x71: {  	[sflag:s26] =	ssyncset.done $0x0  }
0x72: {  	[sflag:s26] =	ssyncadd.s32 $0xFFFFFE00  }
0x73: {  	_ =	swait.ge [sflag:s26], $0x200  }
0x74: {  	[sflag:s26] =	ssyncset.done $0x0  }
0x75: {  	[sflag:s26] =	ssyncadd.s32 $0xFFFFFE00  }
0x76: {  	_ =	swait.ge [sflag:s26], $0x200  }
0x77: {  	[sflag:s26] =	ssyncset.done $0x0  }
0x78: {  	s1 =	simm.s32 $0x10840;
	[sflag:s26] =	ssyncadd.s32 $0xFFFFFE00  }
0x79: {  	s31 =	simm.s32 $0x10A40;
	v0 =	vld [tilespmem:s1+$0xFFFFFFC0]  }
0x7a: {  	s0 =	simm.s32 $0x10C40;
	v1 =	vld [tilespmem:s31+$0xFFFFFFC0]  }
0x7b: {  	s20 =	simm.s32 $0x10640;
	v2 =	vld [tilespmem:s0+$0xFFFFFFC0]  }
0x7c: {  	v3 =	vld [tilespmem:s20+$0xFFFFFFC0];
	_ =	sdelay $0x2  }
0x7d: {  	s4 =	simm.s32 $0x10E40  }
0x7e: {  	v4 =	vld [tilespmem:s4+$0xFFFFFFC0]  }
0x7f: {  	v1 =	vadd.f32 v2, v1;
	v0 =	vadd.f32 v0, v3;
	_ =	sdelay $0x1  }
0x80: {  	v0 =	vadd.f32 v1, v0;
	_ =	sdelay $0x1  }
0x81: {  	v0 =	vadd.f32 v0, v4  }
0x82: {  	s2 =	simm.s32 $0x11040  }
0x83: {  	[tilespmem:s2+$0xFFFFFFC0] =	vst v0  }
0x84: {  	v0 =	vld [tilespmem:s31+$0xFFFFFFD0]  }
0x85: {  	v1 =	vld [tilespmem:s1+$0xFFFFFFD0]  }
0x86: {  	v2 =	vld [tilespmem:s0+$0xFFFFFFD0]  }
0x87: {  	v3 =	vld [tilespmem:s20+$0xFFFFFFD0];
	_ =	sdelay $0x3  }
0x88: {  	v4 =	vld [tilespmem:s4+$0xFFFFFFD0]  }
0x89: {  	v0 =	vadd.f32 v2, v0;
	v1 =	vadd.f32 v1, v3;
	_ =	sdelay $0x1  }
0x8a: {  	v0 =	vadd.f32 v0, v1;
	_ =	sdelay $0x1  }
0x8b: {  	v0 =	vadd.f32 v0, v4;
	_ =	sdelay $0x1  }
0x8c: {  	[tilespmem:s2+$0xFFFFFFD0] =	vst v0  }
0x8d: {  	v0 =	vld [tilespmem:s31+$0xFFFFFFE0]  }
0x8e: {  	v1 =	vld [tilespmem:s1+$0xFFFFFFE0]  }
0x8f: {  	v2 =	vld [tilespmem:s20+$0xFFFFFFE0]  }
0x90: {  	v3 =	vld [tilespmem:s0+$0xFFFFFFE0];
	_ =	sdelay $0x3  }
0x91: {  	v4 =	vld [tilespmem:s4+$0xFFFFFFE0]  }
0x92: {  	v1 =	vadd.f32 v1, v2;
	v0 =	vadd.f32 v3, v0;
	_ =	sdelay $0x1  }
0x93: {  	v0 =	vadd.f32 v0, v1;
	_ =	sdelay $0x1  }
0x94: {  	v0 =	vadd.f32 v0, v4;
	_ =	sdelay $0x1  }
0x95: {  	[tilespmem:s2+$0xFFFFFFE0] =	vst v0  }
0x96: {  	v0 =	vld [tilespmem:s20+$0xFFFFFFF0]  }
0x97: {  	v1 =	vld [tilespmem:s1+$0xFFFFFFF0]  }
0x98: {  	v2 =	vld [tilespmem:s0+$0xFFFFFFF0]  }
0x99: {  	v3 =	vld [tilespmem:s31+$0xFFFFFFF0];
	_ =	sdelay $0x3  }
0x9a: {  	v4 =	vld [tilespmem:s4+$0xFFFFFFF0]  }
0x9b: {  	v0 =	vadd.f32 v1, v0;
	v1 =	vadd.f32 v2, v3;
	_ =	sdelay $0x1  }
0x9c: {  	v0 =	vadd.f32 v1, v0;
	_ =	sdelay $0x1  }
0x9d: {  	v0 =	vadd.f32 v0, v4;
	_ =	sdelay $0x1  }
0x9e: {  	[tilespmem:s2+$0xFFFFFFF0] =	vst v0  }
0x9f: {  	v0 =	vld [tilespmem:s20+$0x0]  }
0xa0: {  	v1 =	vld [tilespmem:s1+$0x0]  }
0xa1: {  	v2 =	vld [tilespmem:s0+$0x0]  }
0xa2: {  	v3 =	vld [tilespmem:s31+$0x0];
	_ =	sdelay $0x3  }
0xa3: {  	v4 =	vld [tilespmem:s4+$0x0]  }
0xa4: {  	v0 =	vadd.f32 v1, v0;
	v1 =	vadd.f32 v2, v3;
	_ =	sdelay $0x1  }
0xa5: {  	v0 =	vadd.f32 v1, v0;
	_ =	sdelay $0x1  }
0xa6: {  	v0 =	vadd.f32 v0, v4;
	_ =	sdelay $0x1  }
0xa7: {  	[tilespmem:s2+$0x0] =	vst v0  }
0xa8: {  	v0 =	vld [tilespmem:s20+$0x10]  }
0xa9: {  	v1 =	vld [tilespmem:s1+$0x10]  }
0xaa: {  	v2 =	vld [tilespmem:s0+$0x10]  }
0xab: {  	v3 =	vld [tilespmem:s31+$0x10];
	_ =	sdelay $0x3  }
0xac: {  	v4 =	vld [tilespmem:s4+$0x10]  }
0xad: {  	v0 =	vadd.f32 v1, v0;
	v1 =	vadd.f32 v2, v3;
	_ =	sdelay $0x1  }
0xae: {  	v0 =	vadd.f32 v1, v0;
	_ =	sdelay $0x1  }
0xaf: {  	v0 =	vadd.f32 v0, v4;
	_ =	sdelay $0x1  }
0xb0: {  	[tilespmem:s2+$0x10] =	vst v0  }
0xb1: {  	v3 =	vld [tilespmem:s20+$0x20]  }
0xb2: {  	v4 =	vld [tilespmem:s1+$0x20]  }
0xb3: {  	v0 =	vld [tilespmem:s0+$0x20]  }
0xb4: {  	v2 =	vld [tilespmem:s31+$0x20]  }
0xb5: {  	s28 =	simm.s32 $0x10CC0  }
0xb6: {  	s5 =	simm.s32 $0x10EC0;
	s21 =	simm.s32 $0x0;
	s22 =	simm.s32 $0x110C0  }
0xb7: {  	s23 =	simm.s32 $0x10AC0;
	s24 =	simm.s32 $0x10640;
	s25 =	simm.s32 $0x10840;
	v1 =	vld [tilespmem:s4+$0x20];
	v3 =	vadd.f32 v4, v3  }
.LBB2_2:
0xb8: {  	s21 =	sadd.s32 $0x8, s21;
	s20 =	sadd.s32 $0x80, s20;
	s1 =	sadd.s32 $0x80, s1  }
0xb9: {  	p0 =	slt.u32 s21, $0x18;
	v0 =	vadd.f32 v0, v2;
	_ =	sdelay $0x1  }
0xba: {  	v0 =	vadd.f32 v0, v3;
	_ =	sdelay $0x1  }
0xbb: {  	v0 =	vadd.f32 v0, v1;
	_ =	sdelay $0x1  }
0xbc: {  	[tilespmem:s2+$0x20] =	vst v0  }
0xbd: {  	v0 =	vld [tilespmem:s24+$0x30];
	s24 =	smov.u32 s20  }
0xbe: {  	v1 =	vld [tilespmem:s25+$0x30];
	s25 =	smov.u32 s1  }
0xbf: {  	v2 =	vld [tilespmem:s31+$0x30];
	s31 =	smov.u32 s23  }
0xc0: {  	v3 =	vld [tilespmem:s0+$0x30];
	s0 =	smov.u32 s28  }
0xc1: {  	v4 =	vld [tilespmem:s4+$0x30];
	s4 =	smov.u32 s5;
	_ =	sdelay $0x1  }
0xc2: {  	v0 =	vadd.f32 v1, v0;
	_ =	sdelay $0x1  }
0xc3: {  	v1 =	vadd.f32 v3, v2;
	_ =	sdelay $0x1  }
0xc4: {  	v0 =	vadd.f32 v1, v0;
	_ =	sdelay $0x1  }
0xc5: {  	v0 =	vadd.f32 v0, v4;
	_ =	sdelay $0x1  }
0xc6: {  	[tilespmem:s2+$0x30] =	vst v0;
	s2 =	smov.u32 s22  }
0xc7: {  	v0 =	vld [tilespmem:s1+$0xFFFFFFC0]  }
0xc8: {  	v1 =	vld [tilespmem:s23+$0xFFFFFFC0]  }
0xc9: {  	v2 =	vld [tilespmem:s28+$0xFFFFFFC0]  }
0xca: {  	v3 =	vld [tilespmem:s20+$0xFFFFFFC0];
	_ =	sdelay $0x3  }
0xcb: {  	v1 =	vadd.f32 v2, v1;
	v2 =	vld [tilespmem:s5+$0xFFFFFFC0]  }
0xcc: {  	v0 =	vadd.f32 v0, v3;
	_ =	sdelay $0x1  }
0xcd: {  	v0 =	vadd.f32 v1, v0;
	_ =	sdelay $0x1  }
0xce: {  	v0 =	vadd.f32 v0, v2;
	_ =	sdelay $0x1  }
0xcf: {  	[tilespmem:s22+$0xFFFFFFC0] =	vst v0  }
0xd0: {  	v0 =	vld [tilespmem:s23+$0xFFFFFFD0]  }
0xd1: {  	v1 =	vld [tilespmem:s1+$0xFFFFFFD0]  }
0xd2: {  	v2 =	vld [tilespmem:s28+$0xFFFFFFD0]  }
0xd3: {  	v3 =	vld [tilespmem:s20+$0xFFFFFFD0];
	_ =	sdelay $0x3  }
0xd4: {  	v0 =	vadd.f32 v2, v0;
	v2 =	vld [tilespmem:s5+$0xFFFFFFD0]  }
0xd5: {  	v1 =	vadd.f32 v1, v3;
	_ =	sdelay $0x1  }
0xd6: {  	v0 =	vadd.f32 v0, v1;
	_ =	sdelay $0x1  }
0xd7: {  	v0 =	vadd.f32 v0, v2;
	_ =	sdelay $0x1  }
0xd8: {  	[tilespmem:s22+$0xFFFFFFD0] =	vst v0  }
0xd9: {  	v0 =	vld [tilespmem:s23+$0xFFFFFFE0]  }
0xda: {  	v1 =	vld [tilespmem:s1+$0xFFFFFFE0]  }
0xdb: {  	v2 =	vld [tilespmem:s20+$0xFFFFFFE0]  }
0xdc: {  	v3 =	vld [tilespmem:s28+$0xFFFFFFE0];
	_ =	sdelay $0x3  }
0xdd: {  	v1 =	vadd.f32 v1, v2;
	v2 =	vld [tilespmem:s5+$0xFFFFFFE0]  }
0xde: {  	v0 =	vadd.f32 v3, v0;
	_ =	sdelay $0x1  }
0xdf: {  	v0 =	vadd.f32 v0, v1;
	_ =	sdelay $0x1  }
0xe0: {  	v0 =	vadd.f32 v0, v2;
	_ =	sdelay $0x1  }
0xe1: {  	[tilespmem:s22+$0xFFFFFFE0] =	vst v0  }
0xe2: {  	v0 =	vld [tilespmem:s20+$0xFFFFFFF0]  }
0xe3: {  	v1 =	vld [tilespmem:s1+$0xFFFFFFF0]  }
0xe4: {  	v2 =	vld [tilespmem:s28+$0xFFFFFFF0]  }
0xe5: {  	v3 =	vld [tilespmem:s23+$0xFFFFFFF0]  }
0xe6: {  	v4 =	vld [tilespmem:s5+$0xFFFFFFF0];
	_ =	sdelay $0x1  }
0xe7: {  	v0 =	vadd.f32 v1, v0;
	_ =	sdelay $0x1  }
0xe8: {  	v1 =	vadd.f32 v2, v3;
	_ =	sdelay $0x1  }
0xe9: {  	v0 =	vadd.f32 v1, v0;
	_ =	sdelay $0x1  }
0xea: {  	v0 =	vadd.f32 v0, v4;
	_ =	sdelay $0x1  }
0xeb: {  	[tilespmem:s22+$0xFFFFFFF0] =	vst v0  }
0xec: {  	v0 =	vld [tilespmem:s20+$0x0]  }
0xed: {  	v1 =	vld [tilespmem:s1+$0x0]  }
0xee: {  	v2 =	vld [tilespmem:s28+$0x0]  }
0xef: {  	v3 =	vld [tilespmem:s23+$0x0];
	_ =	sdelay $0x2  }
0xf0: {  	v0 =	vadd.f32 v1, v0  }
0xf1: {  	v1 =	vld [tilespmem:s5+$0x0]  }
0xf2: {  	v2 =	vadd.f32 v2, v3;
	_ =	sdelay $0x1  }
0xf3: {  	v0 =	vadd.f32 v2, v0;
	_ =	sdelay $0x1  }
0xf4: {  	v0 =	vadd.f32 v0, v1;
	_ =	sdelay $0x1  }
0xf5: {  	[tilespmem:s22+$0x0] =	vst v0  }
0xf6: {  	v0 =	vld [tilespmem:s20+$0x10]  }
0xf7: {  	v1 =	vld [tilespmem:s1+$0x10]  }
0xf8: {  	v2 =	vld [tilespmem:s28+$0x10]  }
0xf9: {  	v3 =	vld [tilespmem:s23+$0x10]  }
0xfa: {  	v4 =	vld [tilespmem:s5+$0x10];
	_ =	sdelay $0x1  }
0xfb: {  	v0 =	vadd.f32 v1, v0;
	_ =	sdelay $0x1  }
0xfc: {  	v1 =	vadd.f32 v2, v3;
	_ =	sdelay $0x1  }
0xfd: {  	v0 =	vadd.f32 v1, v0;
	_ =	sdelay $0x1  }
0xfe: {  	v0 =	vadd.f32 v0, v4;
	_ =	sdelay $0x1  }
0xff: {  	[tilespmem:s22+$0x10] =	vst v0  }
0x100: {  	v3 =	vld [tilespmem:s20+$0x20]  }
0x101: {  	v4 =	vld [tilespmem:s1+$0x20]  }
.Ltmp0:
0x102: {  	v0 =	vld [tilespmem:s28+$0x20];
	(pc) =	sbr.rel @p0 .LBB2_2-.Ltmp0, $4  }
0x103: {  	v2 =	vld [tilespmem:s23+$0x20]  }
0x104: {  	v1 =	vld [tilespmem:s5+$0x20]  }
0x105: {  	s22 =	sadd.s32 $0x80, s22  }
0x106: {  	s28 =	sadd.s32 $0x80, s28;
	s23 =	sadd.s32 $0x80, s23;
	s5 =	sadd.s32 $0x80, s5;
	v3 =	vadd.f32 v4, v3  }
0x107: {  	_ = 	snop  }
0x108: {  	v0 =	vadd.f32 v0, v2;
	_ =	sdelay $0x1  }
0x109: {  	v0 =	vadd.f32 v0, v3;
	_ =	sdelay $0x1  }
0x10a: {  	v0 =	vadd.f32 v0, v1;
	_ =	sdelay $0x1  }
0x10b: {  	[tilespmem:s2+$0x20] =	vst v0  }
0x10c: {  	v0 =	vld [tilespmem:s24+$0x30]  }
0x10d: {  	v60 =	vld [tilespmem:s25+$0x30]  }
0x10e: {  	v61 =	vld [tilespmem:s31+$0x30]  }
0x10f: {  	v62 =	vld [tilespmem:s0+$0x30];
	_ =	sdelay $0x3  }
0x110: {  	v4 =	vld [tilespmem:s4+$0x30]  }
0x111: {  	v0 =	vadd.f32 v60, v0;
	v63 =	vadd.f32 v62, v61;
	_ =	sdelay $0x1  }
0x112: {  	v0 =	vadd.f32 v63, v0;
	_ =	sdelay $0x1  }
0x113: {  	v0 =	vadd.f32 v0, v4;
	_ =	sdelay $0x1  }
0x114: {  	s31 =	simm.s32 $0x11000;
	[tilespmem:s2+$0x30] =	vst v0  }
0x115: {  	[hbm4b:s12+s3] =	stream.linear.scatter [tilespmem:s31], [sflag:$0x3], $0x200, $0x38;
	[tilespmem:$0x11200] =	vst v63  }
0x116: {  	_ =	swait.ge [sflag:s16], $0x200  }
0x117: {  	[sflag:s16] =	ssyncset.done $0x0  }
0x118: {  	[sflag:s16] =	ssyncadd.s32 $0xFFFFFE00  }
0x119: {  	_ =	swait.ge [sflag:s29], $0x8000  }
0x11a: {  	[sflag:s29] =	ssyncset.done $0x0  }
0x11b: {  	[sflag:s29] =	ssyncadd.s32 $0xFFFF8000  }
0x11c: {  	_ =	swait.ge [sflag:s29], $0x8000  }
0x11d: {  	[sflag:s29] =	ssyncset.done $0x0  }
0x11e: {  	[sflag:s29] =	ssyncadd.s32 $0xFFFF8000  }
0x11f: {  	[hbm4b:s13+s3] =	stream.linear.scatter [tilespmem:s18], [sflag:$0x3], $0x8000, $0x38;
	[tilespmem:$0x11200] =	vst v63  }
0x120: {  	s30 =	sadd.s32 $0x1, s30;
	_ =	swait.ge [sflag:s16], $0x8000  }
0x121: {  	p0 =	sne.s32 s30, s15;
	[sflag:s16] =	ssyncset.done $0x0  }
.Ltmp1:
0x122: {  	[sflag:s16] =	ssyncadd.s32 $0xFFFF8000;
	(pc) =	sbr.rel @p0 .LBB2_1-.Ltmp1, $4  }
0x123: {  	[hbm4b:s14+s3] =	stream.linear.scatter [tilespmem:s19], [sflag:$0x3], $0x8000, $0x38;
	[tilespmem:$0x11200] =	vst v63  }
0x124: {  	_ =	swait.ge [sflag:s16], $0x8000  }
0x125: {  	[sflag:s16] =	ssyncset.done $0x0  }
0x126: {  	[sflag:s16] =	ssyncadd.s32 $0xFFFF8000  }
0x127: {  	_ =	sfence.sel $0x180000  }
0x128: {  	[bflag:$0x0] =	sbarrier.arrive $0xFFFF  }
0x129: {  	_ =	strace $0x90000047  }
0x12a: {  	s0 =	stileid.u32;
	[bflag:$0x2] =	sbarrier.arrive $0xFFFF  }
0x12b: {  	p0 =	sne.s32 s0, $0x0;
	s0 =	rddreg [dreg:$0x6]  }
0x12c: {  	s0 =	sadd.s32 @!p0 $0x100000, s0  }
0x12d: {  	[sflag:s0] =	ssyncadd.tile.s32 @!p0 $0x1;
	_ =	shalt  }
.Lfunc_end2:
_tile_overlayer_lowered:
.L_overlay_start_2:
0x12e: {  	(tag) =	ssettag $0x2  }
0x12f: {  	s0 =	rddreg [dreg:$0x0];
	s2 =	stileid.u32  }
0x130: {  	s1 =	rddreg [dreg:$0x1];
	p0 =	sne.s32 s2, $0x0  }
0x131: {  	s3 =	rddreg [dreg:$0x2];
	[bflag:$0x3] =	sbarrier.arrive $0xFFFF;
	s2 =	simm.s32 @!p0 $0x1C03  }
0x132: {  	[timem:s3], [sflag:s2] =	dma.local @!p0 [hbm:s0], s1  }
0x133: {  	s0 =	simm.s32 @!p0 $0x3  }
0x134: {  	_ =	swait.ge @!p0 [sflag:s0], s1  }
0x135: {  	s1 =	ssub.s32 @!p0 $0x0, s1;
	[sflag:s0] =	ssyncset.done @!p0 $0x0  }
0x136: {  	[sflag:s0] =	ssyncadd.s32 @!p0 s1  }
0x137: {  	[bflag:$0x3] =	sbarrier.arrive $0xFFFF  }
0x138: {  	_ =	shalt  }

</sc_bundles>
